<compile_context>
chip_gen: v7x
topology: tpu7x:2x2x1
jax: 0.10.2.dev20260603
libtpu: 0.0.44.dev20260713+nightly
codegen_flags: <defaults>
</compile_context>

<pallas_src>
import functools

import jax
import jax.numpy as jnp
from jax import lax
from jax.experimental import pallas as pl
from jax.experimental.pallas import tpu as pltpu
from jax.experimental.pallas import tpu_sc as plsc

B = 16384
OUT = 128
NCOMBO = 64



def _combo_body(pt_ref, mt_ref, w_ref, b_ref, g_ref, bt_ref, out_ref):
    P = jnp.dot(pt_ref[:], w_ref[0:32, :], preferred_element_type=jnp.float32)
    M = jnp.dot(mt_ref[:], w_ref[32:64, :], preferred_element_type=jnp.float32)
    rk = lax.broadcasted_iota(jnp.int32, (NCOMBO, 10), 0)
    cp = lax.broadcasted_iota(jnp.int32, (NCOMBO, 10), 1)
    Rp = (rk // 5 == cp).astype(jnp.float32)
    rk8 = lax.broadcasted_iota(jnp.int32, (NCOMBO, 5), 0)
    cm = lax.broadcasted_iota(jnp.int32, (NCOMBO, 5), 1)
    Tm = (rk8 % 5 == cm).astype(jnp.float32)
    h = (jnp.dot(Rp, P, preferred_element_type=jnp.float32)
         + jnp.dot(Tm, M, preferred_element_type=jnp.float32)
         + b_ref[:])
    mean = jnp.mean(h, axis=-1, keepdims=True)
    c = h - mean
    var = jnp.mean(c * c, axis=-1, keepdims=True)
    hn = c * lax.rsqrt(var + 1e-5)
    hn = hn * g_ref[:] + bt_ref[:]
    out_ref[:] = hn * 0.5 * (1.0 + lax.erf(hn * 0.7071067811865476))


def _build_combo(pt_pad, mt_pad, W, b2, g2, bt2, interpret=False):
    return pl.pallas_call(
        _combo_body,
        out_shape=jax.ShapeDtypeStruct((NCOMBO, OUT), jnp.float32),
        interpret=interpret,
    )(pt_pad, mt_pad, W, b2, g2, bt2)



_NC = 2
_NS = 16
_NW = _NC * _NS
_BPW = B // _NW
_GCH = 32
_NG = _BPW // _GCH


def _sc_gather_body(ps_hbm, vm_hbm, combo_hbm, out_hbm,
                    psv, vmv, idxv, combo_sp, rows, sem_g, sem_o, sem_s):
    sid = lax.axis_index("s")
    wid = sid * _NC + lax.axis_index("c")
    base = wid * _BPW
    stage = []

    @pl.when(sid == 0)
    def _stage():
        stage.append(pltpu.async_copy(combo_hbm, combo_sp, sem_s))
    pcp = pltpu.async_copy(ps_hbm.at[pl.ds(base, _BPW)], psv, sem_g)
    vcp = pltpu.async_copy(vm_hbm.at[pl.ds(base, _BPW)], vmv, sem_g)
    pcp.wait()
    vcp.wait()
    for k in range(_NG):
        for c in range(_GCH // 16):
            s = pl.ds(k * _GCH + c * 16, 16)
            p = jnp.minimum(jnp.maximum(psv[s], 0), 9)
            m = jnp.minimum(jnp.maximum(vmv[s], 0), 4)
            idxv[k, pl.ds(c * 16, 16)] = p * 5 + m

    @pl.when(sid == 0)
    def _stage_wait():
        stage[0].wait()
    plsc.subcore_barrier()
    gathers = [
        pltpu.async_copy(combo_sp.at[idxv.at[k]],
                         rows.at[pl.ds(k * _GCH, _GCH)], sem_g)
        for k in range(_NG)
    ]
    wb = []
    for k in range(_NG):
        gathers[k].wait()
        wb.append(pltpu.async_copy(rows.at[pl.ds(k * _GCH, _GCH)],
                                   out_hbm.at[pl.ds(base + k * _GCH, _GCH)],
                                   sem_o))
    for cp in wb:
        cp.wait()


@functools.cache
def _make_sc_gather():
    return functools.partial(
        pl.kernel,
        mesh=plsc.VectorSubcoreMesh(core_axis_name="c", subcore_axis_name="s"),
        out_type=jax.ShapeDtypeStruct((B, OUT), jnp.float32),
        scratch_types=[
            pltpu.VMEM((_BPW,), jnp.int32),
            pltpu.VMEM((_BPW,), jnp.int32),
            pltpu.VMEM((_NG, _GCH), jnp.int32),
            pltpu.VMEM_SHARED((NCOMBO, OUT), jnp.float32),
            pltpu.VMEM((_BPW, OUT), jnp.float32),
            pltpu.SemaphoreType.DMA,
            pltpu.SemaphoreType.DMA,
            pltpu.SemaphoreType.DMA,
        ],
    )(_sc_gather_body)




def kernel(party_size, viewing_mode, party_table, mode_table, W, b, gamma, beta):
    combo = _build_combo(party_table, mode_table, W,
                         b.reshape(1, OUT), gamma.reshape(1, OUT),
                         beta.reshape(1, OUT))
    ps = party_size.astype(jnp.int32)
    vm = viewing_mode.astype(jnp.int32)
    return _make_sc_gather()(ps, vm, combo)

# --- scband reference (transcript-rebuilt; emitter-appended) ---
"""Pipeline reference for scband-social-context-encoder-67216238182552 (READ-ONLY COPY).

The authoritative reference and input builder live on the scoring server;
editing this copy changes nothing except your own understanding.
"""

import jax, jax.numpy as jnp
import numpy as np

B = 16384
OUT = 128

def setup_inputs(seed: int = 0) -> dict:
    key = jax.random.key(seed)
    ks = jax.random.split(key, 8)
    party_size = jax.random.randint(ks[0], (B,), 0, 10)
    viewing_mode = jax.random.randint(ks[1], (B,), 0, 5)
    party_table = jax.random.normal(ks[2], (10, 32), dtype=jnp.float32)
    mode_table = jax.random.normal(ks[3], (5, 32), dtype=jnp.float32)
    W = jax.random.normal(ks[4], (64, OUT), dtype=jnp.float32) * (1.0 / np.sqrt(64.0))
    b = jnp.zeros((OUT,), dtype=jnp.float32)
    gamma = jnp.ones((OUT,), dtype=jnp.float32)
    beta = jnp.zeros((OUT,), dtype=jnp.float32)
    return {
        'party_size': party_size,
        'viewing_mode': viewing_mode,
        'party_table': party_table,
        'mode_table': mode_table,
        'W': W,
        'b': b,
        'gamma': gamma,
        'beta': beta,
    }

def _gelu_exact(x):
    return x * 0.5 * (1.0 + jax.lax.erf(x / jnp.sqrt(2.0).astype(x.dtype)))

def reference(party_size, viewing_mode, party_table, mode_table, W, b, gamma, beta):
    ps = jnp.clip(party_size, 0, 9)
    party_emb = jnp.take(party_table, ps, axis=0)
    mode_emb = jnp.take(mode_table, viewing_mode, axis=0)
    combined = jnp.concatenate([party_emb, mode_emb], axis=-1)
    h = combined @ W + b
    mean = jnp.mean(h, axis=-1, keepdims=True)
    var = jnp.mean((h - mean) ** 2, axis=-1, keepdims=True)
    hn = (h - mean) / jnp.sqrt(var + 1e-5)
    hn = hn * gamma + beta
    return _gelu_exact(hn)

if __name__ == "__main__":
    import jax
    _d = setup_inputs()
    print(jax.jit(kernel)(*tuple(_d.values())))

</pallas_src>

<mosaic_0001>
#map = affine_map<(d0, d1) -> (0)>
#map1 = affine_map<(d0, d1) -> (0, 0)>
module attributes {stable_mosaic.version = 14 : i64} {
  func.func @_sc_gather_body(%arg0: i32, %arg1: i32, %arg2: memref<16384xi32, #tpu.memory_space<hbm>>, %arg3: memref<16384xi32, #tpu.memory_space<hbm>>, %arg4: memref<64x128xf32, #tpu.memory_space<hbm>>, %arg5: memref<16384x128xf32, #tpu.memory_space<hbm>>, %arg6: memref<512xi32, #tpu.memory_space<vmem>>, %arg7: memref<512xi32, #tpu.memory_space<vmem>>, %arg8: memref<16x32xi32, #tpu.memory_space<vmem>>, %arg9: memref<64x128xf32, #tpu.memory_space<vmem_shared>>, %arg10: memref<512x128xf32, #tpu.memory_space<vmem>>, %arg11: memref<!tpu.dma_semaphore, #tpu.memory_space<semaphore_mem>>, %arg12: memref<!tpu.dma_semaphore, #tpu.memory_space<semaphore_mem>>, %arg13: memref<!tpu.dma_semaphore, #tpu.memory_space<semaphore_mem>>) attributes {dimension_semantics = [#tpu.dimension_semantics<core_parallel>, #tpu.dimension_semantics<subcore_parallel>], iteration_bounds = array<i64: 2, 16>, scalar_prefetch = 0 : i64, scratch_operands = 8 : i64, tpu.core_type = #tpu.core_type<sc_vector_subcore>, window_params = [{transform_indices = #map}, {transform_indices = #map}, {transform_indices = #map1}, {transform_indices = #map1}]} {
    %mul3A = arith.constant 2 : i32
    %mul3A_0 = arith.muli %arg1, %mul3A : i32
    %add3A = arith.addi %mul3A_0, %arg0 : i32
    %mul3A_1 = arith.constant 512 : i32
    %mul3A_2 = arith.muli %add3A, %mul3A_1 : i32
    %eq3A = arith.constant 0 : i32
    %eq3A_3 = arith.cmpi eq, %arg1, %eq3A : i32
    %convert_element_type3A = arith.extui %eq3A_3 : i1 to i32
    %cond3A = arith.constant 0 : i32
    %cond3A_4 = arith.cmpi ne, %convert_element_type3A, %cond3A : i32
    scf.if %cond3A_4 {
      tpu.enqueue_dma source(%arg4 : memref<64x128xf32, #tpu.memory_space<hbm>>) target(%arg9 : memref<64x128xf32, #tpu.memory_space<vmem_shared>>) target_semaphore(%arg13 : memref<!tpu.dma_semaphore, #tpu.memory_space<semaphore_mem>>)
    } else {
    }
    %dma_start3A = tpu.memref_slice %arg2[%mul3A_2] : memref<16384xi32, #tpu.memory_space<hbm>> -> memref<512xi32, #tpu.memory_space<hbm>>
    %dma_start3A_5 = tpu.memref_slice %arg2[%mul3A_2] : memref<16384xi32, #tpu.memory_space<hbm>> -> memref<512xi32, #tpu.memory_space<hbm>>
    tpu.enqueue_dma source(%dma_start3A_5 : memref<512xi32, #tpu.memory_space<hbm>>) target(%arg6 : memref<512xi32, #tpu.memory_space<vmem>>) target_semaphore(%arg11 : memref<!tpu.dma_semaphore, #tpu.memory_space<semaphore_mem>>)
    %dma_start3A_6 = tpu.memref_slice %arg3[%mul3A_2] : memref<16384xi32, #tpu.memory_space<hbm>> -> memref<512xi32, #tpu.memory_space<hbm>>
    %dma_start3A_7 = tpu.memref_slice %arg3[%mul3A_2] : memref<16384xi32, #tpu.memory_space<hbm>> -> memref<512xi32, #tpu.memory_space<hbm>>
    tpu.enqueue_dma source(%dma_start3A_7 : memref<512xi32, #tpu.memory_space<hbm>>) target(%arg7 : memref<512xi32, #tpu.memory_space<vmem>>) target_semaphore(%arg11 : memref<!tpu.dma_semaphore, #tpu.memory_space<semaphore_mem>>)
    %dma_wait3A = tpu.memref_slice %arg2[%mul3A_2] : memref<16384xi32, #tpu.memory_space<hbm>> -> memref<512xi32, #tpu.memory_space<hbm>>
    %dma_wait3A_8 = tpu.memref_slice %arg2[%mul3A_2] : memref<16384xi32, #tpu.memory_space<hbm>> -> memref<512xi32, #tpu.memory_space<hbm>>
    tpu.wait_dma2 semaphore(%arg11 : memref<!tpu.dma_semaphore, #tpu.memory_space<semaphore_mem>>) src(%dma_wait3A_8 : memref<512xi32, #tpu.memory_space<hbm>>) dst(%arg6 : memref<512xi32, #tpu.memory_space<vmem>>)
    %dma_wait3A_9 = tpu.memref_slice %arg3[%mul3A_2] : memref<16384xi32, #tpu.memory_space<hbm>> -> memref<512xi32, #tpu.memory_space<hbm>>
    %dma_wait3A_10 = tpu.memref_slice %arg3[%mul3A_2] : memref<16384xi32, #tpu.memory_space<hbm>> -> memref<512xi32, #tpu.memory_space<hbm>>
    tpu.wait_dma2 semaphore(%arg11 : memref<!tpu.dma_semaphore, #tpu.memory_space<semaphore_mem>>) src(%dma_wait3A_10 : memref<512xi32, #tpu.memory_space<hbm>>) dst(%arg7 : memref<512xi32, #tpu.memory_space<vmem>>)
    %get3A = arith.constant 0 : index
    %get3A_11 = tpu.vector_load %arg6[%get3A] {strides = array<i32>} : memref<512xi32, #tpu.memory_space<vmem>>, vector<16xi32>,
    %get3A_12 = vector.shape_cast %get3A_11 : vector<16xi32> to vector<16xi32>
    %max3A = arith.constant 0 : i32
    %max3A_13 = vector.broadcast %max3A : i32 to vector<16xi32>
    %max3A_14 = arith.maxsi %get3A_12, %max3A_13 : vector<16xi32>
    %min3A = arith.constant 9 : i32
    %min3A_15 = vector.broadcast %min3A : i32 to vector<16xi32>
    %min3A_16 = arith.minsi %max3A_14, %min3A_15 : vector<16xi32>
    %get3A_17 = arith.constant 0 : index
    %get3A_18 = tpu.vector_load %arg7[%get3A_17] {strides = array<i32>} : memref<512xi32, #tpu.memory_space<vmem>>, vector<16xi32>,
    %get3A_19 = vector.shape_cast %get3A_18 : vector<16xi32> to vector<16xi32>
    %max3A_20 = arith.constant 0 : i32
    %max3A_21 = vector.broadcast %max3A_20 : i32 to vector<16xi32>
    %max3A_22 = arith.maxsi %get3A_19, %max3A_21 : vector<16xi32>
    %min3A_23 = arith.constant 4 : i32
    %min3A_24 = vector.broadcast %min3A_23 : i32 to vector<16xi32>
    %min3A_25 = arith.minsi %max3A_22, %min3A_24 : vector<16xi32>
    %mul3A_26 = arith.constant 5 : i32
    %mul3A_27 = vector.broadcast %mul3A_26 : i32 to vector<16xi32>
    %mul3A_28 = arith.muli %min3A_16, %mul3A_27 : vector<16xi32>
    %add3A_29 = arith.addi %mul3A_28, %min3A_25 : vector<16xi32>
    %swap3A = arith.constant 0 : i32
    %swap3A_30 = arith.index_cast %swap3A : i32 to index
    %swap3A_31 = arith.constant 0 : index
    %swap3A_32 = tpu.vector_load %arg8[%swap3A_30, %swap3A_31] {strides = array<i32>} : memref<16x32xi32, #tpu.memory_space<vmem>>, vector<1x16xi32>,
    %swap3A_33 = vector.shape_cast %swap3A_32 : vector<1x16xi32> to vector<16xi32>
    %swap3A_34 = vector.shape_cast %add3A_29 : vector<16xi32> to vector<1x16xi32>
    tpu.vector_store %arg8[%swap3A_30, %swap3A_31], %swap3A_34 {strides = array<i32>} : memref<16x32xi32, #tpu.memory_space<vmem>>, vector<1x16xi32>,
    %get3A_35 = arith.constant 16 : index
    %get3A_36 = tpu.vector_load %arg6[%get3A_35] {strides = array<i32>} : memref<512xi32, #tpu.memory_space<vmem>>, vector<16xi32>,
    %get3A_37 = vector.shape_cast %get3A_36 : vector<16xi32> to vector<16xi32>
    %max3A_38 = arith.constant 0 : i32
    %max3A_39 = vector.broadcast %max3A_38 : i32 to vector<16xi32>
    %max3A_40 = arith.maxsi %get3A_37, %max3A_39 : vector<16xi32>
    %min3A_41 = arith.constant 9 : i32
    %min3A_42 = vector.broadcast %min3A_41 : i32 to vector<16xi32>
    %min3A_43 = arith.minsi %max3A_40, %min3A_42 : vector<16xi32>
    %get3A_44 = arith.constant 16 : index
    %get3A_45 = tpu.vector_load %arg7[%get3A_44] {strides = array<i32>} : memref<512xi32, #tpu.memory_space<vmem>>, vector<16xi32>,
    %get3A_46 = vector.shape_cast %get3A_45 : vector<16xi32> to vector<16xi32>
    %max3A_47 = arith.constant 0 : i32
    %max3A_48 = vector.broadcast %max3A_47 : i32 to vector<16xi32>
    %max3A_49 = arith.maxsi %get3A_46, %max3A_48 : vector<16xi32>
    %min3A_50 = arith.constant 4 : i32
    %min3A_51 = vector.broadcast %min3A_50 : i32 to vector<16xi32>
    %min3A_52 = arith.minsi %max3A_49, %min3A_51 : vector<16xi32>
    %mul3A_53 = arith.constant 5 : i32
    %mul3A_54 = vector.broadcast %mul3A_53 : i32 to vector<16xi32>
    %mul3A_55 = arith.muli %min3A_43, %mul3A_54 : vector<16xi32>
    %add3A_56 = arith.addi %mul3A_55, %min3A_52 : vector<16xi32>
    %swap3A_57 = arith.constant 0 : i32
    %swap3A_58 = arith.index_cast %swap3A_57 : i32 to index
    %swap3A_59 = arith.constant 16 : index
    %swap3A_60 = tpu.vector_load %arg8[%swap3A_58, %swap3A_59] {strides = array<i32>} : memref<16x32xi32, #tpu.memory_space<vmem>>, vector<1x16xi32>,
    %swap3A_61 = vector.shape_cast %swap3A_60 : vector<1x16xi32> to vector<16xi32>
    %swap3A_62 = vector.shape_cast %add3A_56 : vector<16xi32> to vector<1x16xi32>
    tpu.vector_store %arg8[%swap3A_58, %swap3A_59], %swap3A_62 {strides = array<i32>} : memref<16x32xi32, #tpu.memory_space<vmem>>, vector<1x16xi32>,
    %get3A_63 = arith.constant 32 : index
    %get3A_64 = tpu.vector_load %arg6[%get3A_63] {strides = array<i32>} : memref<512xi32, #tpu.memory_space<vmem>>, vector<16xi32>,
    %get3A_65 = vector.shape_cast %get3A_64 : vector<16xi32> to vector<16xi32>
    %max3A_66 = arith.constant 0 : i32
    %max3A_67 = vector.broadcast %max3A_66 : i32 to vector<16xi32>
    %max3A_68 = arith.maxsi %get3A_65, %max3A_67 : vector<16xi32>
    %min3A_69 = arith.constant 9 : i32
    %min3A_70 = vector.broadcast %min3A_69 : i32 to vector<16xi32>
    %min3A_71 = arith.minsi %max3A_68, %min3A_70 : vector<16xi32>
    %get3A_72 = arith.constant 32 : index
    %get3A_73 = tpu.vector_load %arg7[%get3A_72] {strides = array<i32>} : memref<512xi32, #tpu.memory_space<vmem>>, vector<16xi32>,
    %get3A_74 = vector.shape_cast %get3A_73 : vector<16xi32> to vector<16xi32>
    %max3A_75 = arith.constant 0 : i32
    %max3A_76 = vector.broadcast %max3A_75 : i32 to vector<16xi32>
    %max3A_77 = arith.maxsi %get3A_74, %max3A_76 : vector<16xi32>
    %min3A_78 = arith.constant 4 : i32
    %min3A_79 = vector.broadcast %min3A_78 : i32 to vector<16xi32>
    %min3A_80 = arith.minsi %max3A_77, %min3A_79 : vector<16xi32>
    %mul3A_81 = arith.constant 5 : i32
    %mul3A_82 = vector.broadcast %mul3A_81 : i32 to vector<16xi32>
    %mul3A_83 = arith.muli %min3A_71, %mul3A_82 : vector<16xi32>
    %add3A_84 = arith.addi %mul3A_83, %min3A_80 : vector<16xi32>
    %swap3A_85 = arith.constant 1 : i32
    %swap3A_86 = arith.index_cast %swap3A_85 : i32 to index
    %swap3A_87 = arith.constant 0 : index
    %swap3A_88 = tpu.vector_load %arg8[%swap3A_86, %swap3A_87] {strides = array<i32>} : memref<16x32xi32, #tpu.memory_space<vmem>>, vector<1x16xi32>,
    %swap3A_89 = vector.shape_cast %swap3A_88 : vector<1x16xi32> to vector<16xi32>
    %swap3A_90 = vector.shape_cast %add3A_84 : vector<16xi32> to vector<1x16xi32>
    tpu.vector_store %arg8[%swap3A_86, %swap3A_87], %swap3A_90 {strides = array<i32>} : memref<16x32xi32, #tpu.memory_space<vmem>>, vector<1x16xi32>,
    %get3A_91 = arith.constant 48 : index
    %get3A_92 = tpu.vector_load %arg6[%get3A_91] {strides = array<i32>} : memref<512xi32, #tpu.memory_space<vmem>>, vector<16xi32>,
    %get3A_93 = vector.shape_cast %get3A_92 : vector<16xi32> to vector<16xi32>
    %max3A_94 = arith.constant 0 : i32
    %max3A_95 = vector.broadcast %max3A_94 : i32 to vector<16xi32>
    %max3A_96 = arith.maxsi %get3A_93, %max3A_95 : vector<16xi32>
    %min3A_97 = arith.constant 9 : i32
    %min3A_98 = vector.broadcast %min3A_97 : i32 to vector<16xi32>
    %min3A_99 = arith.minsi %max3A_96, %min3A_98 : vector<16xi32>
    %get3A_100 = arith.constant 48 : index
    %get3A_101 = tpu.vector_load %arg7[%get3A_100] {strides = array<i32>} : memref<512xi32, #tpu.memory_space<vmem>>, vector<16xi32>,
    %get3A_102 = vector.shape_cast %get3A_101 : vector<16xi32> to vector<16xi32>
    %max3A_103 = arith.constant 0 : i32
    %max3A_104 = vector.broadcast %max3A_103 : i32 to vector<16xi32>
    %max3A_105 = arith.maxsi %get3A_102, %max3A_104 : vector<16xi32>
    %min3A_106 = arith.constant 4 : i32
    %min3A_107 = vector.broadcast %min3A_106 : i32 to vector<16xi32>
    %min3A_108 = arith.minsi %max3A_105, %min3A_107 : vector<16xi32>
    %mul3A_109 = arith.constant 5 : i32
    %mul3A_110 = vector.broadcast %mul3A_109 : i32 to vector<16xi32>
    %mul3A_111 = arith.muli %min3A_99, %mul3A_110 : vector<16xi32>
    %add3A_112 = arith.addi %mul3A_111, %min3A_108 : vector<16xi32>
    %swap3A_113 = arith.constant 1 : i32
    %swap3A_114 = arith.index_cast %swap3A_113 : i32 to index
    %swap3A_115 = arith.constant 16 : index
    %swap3A_116 = tpu.vector_load %arg8[%swap3A_114, %swap3A_115] {strides = array<i32>} : memref<16x32xi32, #tpu.memory_space<vmem>>, vector<1x16xi32>,
    %swap3A_117 = vector.shape_cast %swap3A_116 : vector<1x16xi32> to vector<16xi32>
    %swap3A_118 = vector.shape_cast %add3A_112 : vector<16xi32> to vector<1x16xi32>
    tpu.vector_store %arg8[%swap3A_114, %swap3A_115], %swap3A_118 {strides = array<i32>} : memref<16x32xi32, #tpu.memory_space<vmem>>, vector<1x16xi32>,
    %get3A_119 = arith.constant 64 : index
    %get3A_120 = tpu.vector_load %arg6[%get3A_119] {strides = array<i32>} : memref<512xi32, #tpu.memory_space<vmem>>, vector<16xi32>,
    %get3A_121 = vector.shape_cast %get3A_120 : vector<16xi32> to vector<16xi32>
    %max3A_122 = arith.constant 0 : i32
    %max3A_123 = vector.broadcast %max3A_122 : i32 to vector<16xi32>
    %max3A_124 = arith.maxsi %get3A_121, %max3A_123 : vector<16xi32>
    %min3A_125 = arith.constant 9 : i32
    %min3A_126 = vector.broadcast %min3A_125 : i32 to vector<16xi32>
    %min3A_127 = arith.minsi %max3A_124, %min3A_126 : vector<16xi32>
    %get3A_128 = arith.constant 64 : index
    %get3A_129 = tpu.vector_load %arg7[%get3A_128] {strides = array<i32>} : memref<512xi32, #tpu.memory_space<vmem>>, vector<16xi32>,
    %get3A_130 = vector.shape_cast %get3A_129 : vector<16xi32> to vector<16xi32>
    %max3A_131 = arith.constant 0 : i32
    %max3A_132 = vector.broadcast %max3A_131 : i32 to vector<16xi32>
    %max3A_133 = arith.maxsi %get3A_130, %max3A_132 : vector<16xi32>
    %min3A_134 = arith.constant 4 : i32
    %min3A_135 = vector.broadcast %min3A_134 : i32 to vector<16xi32>
    %min3A_136 = arith.minsi %max3A_133, %min3A_135 : vector<16xi32>
    %mul3A_137 = arith.constant 5 : i32
    %mul3A_138 = vector.broadcast %mul3A_137 : i32 to vector<16xi32>
    %mul3A_139 = arith.muli %min3A_127, %mul3A_138 : vector<16xi32>
    %add3A_140 = arith.addi %mul3A_139, %min3A_136 : vector<16xi32>
    %swap3A_141 = arith.constant 2 : i32
    %swap3A_142 = arith.index_cast %swap3A_141 : i32 to index
    %swap3A_143 = arith.constant 0 : index
    %swap3A_144 = tpu.vector_load %arg8[%swap3A_142, %swap3A_143] {strides = array<i32>} : memref<16x32xi32, #tpu.memory_space<vmem>>, vector<1x16xi32>,
    %swap3A_145 = vector.shape_cast %swap3A_144 : vector<1x16xi32> to vector<16xi32>
    %swap3A_146 = vector.shape_cast %add3A_140 : vector<16xi32> to vector<1x16xi32>
    tpu.vector_store %arg8[%swap3A_142, %swap3A_143], %swap3A_146 {strides = array<i32>} : memref<16x32xi32, #tpu.memory_space<vmem>>, vector<1x16xi32>,
    %get3A_147 = arith.constant 80 : index
    %get3A_148 = tpu.vector_load %arg6[%get3A_147] {strides = array<i32>} : memref<512xi32, #tpu.memory_space<vmem>>, vector<16xi32>,
    %get3A_149 = vector.shape_cast %get3A_148 : vector<16xi32> to vector<16xi32>
    %max3A_150 = arith.constant 0 : i32
    %max3A_151 = vector.broadcast %max3A_150 : i32 to vector<16xi32>
    %max3A_152 = arith.maxsi %get3A_149, %max3A_151 : vector<16xi32>
    %min3A_153 = arith.constant 9 : i32
    %min3A_154 = vector.broadcast %min3A_153 : i32 to vector<16xi32>
    %min3A_155 = arith.minsi %max3A_152, %min3A_154 : vector<16xi32>
    %get3A_156 = arith.constant 80 : index
    %get3A_157 = tpu.vector_load %arg7[%get3A_156] {strides = array<i32>} : memref<512xi32, #tpu.memory_space<vmem>>, vector<16xi32>,
    %get3A_158 = vector.shape_cast %get3A_157 : vector<16xi32> to vector<16xi32>
    %max3A_159 = arith.constant 0 : i32
    %max3A_160 = vector.broadcast %max3A_159 : i32 to vector<16xi32>
    %max3A_161 = arith.maxsi %get3A_158, %max3A_160 : vector<16xi32>
    %min3A_162 = arith.constant 4 : i32
    %min3A_163 = vector.broadcast %min3A_162 : i32 to vector<16xi32>
    %min3A_164 = arith.minsi %max3A_161, %min3A_163 : vector<16xi32>
    %mul3A_165 = arith.constant 5 : i32
    %mul3A_166 = vector.broadcast %mul3A_165 : i32 to vector<16xi32>
    %mul3A_167 = arith.muli %min3A_155, %mul3A_166 : vector<16xi32>
    %add3A_168 = arith.addi %mul3A_167, %min3A_164 : vector<16xi32>
    %swap3A_169 = arith.constant 2 : i32
    %swap3A_170 = arith.index_cast %swap3A_169 : i32 to index
    %swap3A_171 = arith.constant 16 : index
    %swap3A_172 = tpu.vector_load %arg8[%swap3A_170, %swap3A_171] {strides = array<i32>} : memref<16x32xi32, #tpu.memory_space<vmem>>, vector<1x16xi32>,
    %swap3A_173 = vector.shape_cast %swap3A_172 : vector<1x16xi32> to vector<16xi32>
    %swap3A_174 = vector.shape_cast %add3A_168 : vector<16xi32> to vector<1x16xi32>
    tpu.vector_store %arg8[%swap3A_170, %swap3A_171], %swap3A_174 {strides = array<i32>} : memref<16x32xi32, #tpu.memory_space<vmem>>, vector<1x16xi32>,
    %get3A_175 = arith.constant 96 : index
    %get3A_176 = tpu.vector_load %arg6[%get3A_175] {strides = array<i32>} : memref<512xi32, #tpu.memory_space<vmem>>, vector<16xi32>,
    %get3A_177 = vector.shape_cast %get3A_176 : vector<16xi32> to vector<16xi32>
    %max3A_178 = arith.constant 0 : i32
    %max3A_179 = vector.broadcast %max3A_178 : i32 to vector<16xi32>
    %max3A_180 = arith.maxsi %get3A_177, %max3A_179 : vector<16xi32>
    %min3A_181 = arith.constant 9 : i32
    %min3A_182 = vector.broadcast %min3A_181 : i32 to vector<16xi32>
    %min3A_183 = arith.minsi %max3A_180, %min3A_182 : vector<16xi32>
    %get3A_184 = arith.constant 96 : index
    %get3A_185 = tpu.vector_load %arg7[%get3A_184] {strides = array<i32>} : memref<512xi32, #tpu.memory_space<vmem>>, vector<16xi32>,
    %get3A_186 = vector.shape_cast %get3A_185 : vector<16xi32> to vector<16xi32>
    %max3A_187 = arith.constant 0 : i32
    %max3A_188 = vector.broadcast %max3A_187 : i32 to vector<16xi32>
    %max3A_189 = arith.maxsi %get3A_186, %max3A_188 : vector<16xi32>
    %min3A_190 = arith.constant 4 : i32
    %min3A_191 = vector.broadcast %min3A_190 : i32 to vector<16xi32>
    %min3A_192 = arith.minsi %max3A_189, %min3A_191 : vector<16xi32>
    %mul3A_193 = arith.constant 5 : i32
    %mul3A_194 = vector.broadcast %mul3A_193 : i32 to vector<16xi32>
    %mul3A_195 = arith.muli %min3A_183, %mul3A_194 : vector<16xi32>
    %add3A_196 = arith.addi %mul3A_195, %min3A_192 : vector<16xi32>
    %swap3A_197 = arith.constant 3 : i32
    %swap3A_198 = arith.index_cast %swap3A_197 : i32 to index
    %swap3A_199 = arith.constant 0 : index
    %swap3A_200 = tpu.vector_load %arg8[%swap3A_198, %swap3A_199] {strides = array<i32>} : memref<16x32xi32, #tpu.memory_space<vmem>>, vector<1x16xi32>,
    %swap3A_201 = vector.shape_cast %swap3A_200 : vector<1x16xi32> to vector<16xi32>
    %swap3A_202 = vector.shape_cast %add3A_196 : vector<16xi32> to vector<1x16xi32>
    tpu.vector_store %arg8[%swap3A_198, %swap3A_199], %swap3A_202 {strides = array<i32>} : memref<16x32xi32, #tpu.memory_space<vmem>>, vector<1x16xi32>,
    %get3A_203 = arith.constant 112 : index
    %get3A_204 = tpu.vector_load %arg6[%get3A_203] {strides = array<i32>} : memref<512xi32, #tpu.memory_space<vmem>>, vector<16xi32>,
    %get3A_205 = vector.shape_cast %get3A_204 : vector<16xi32> to vector<16xi32>
    %max3A_206 = arith.constant 0 : i32
    %max3A_207 = vector.broadcast %max3A_206 : i32 to vector<16xi32>
    %max3A_208 = arith.maxsi %get3A_205, %max3A_207 : vector<16xi32>
    %min3A_209 = arith.constant 9 : i32
    %min3A_210 = vector.broadcast %min3A_209 : i32 to vector<16xi32>
    %min3A_211 = arith.minsi %max3A_208, %min3A_210 : vector<16xi32>
    %get3A_212 = arith.constant 112 : index
    %get3A_213 = tpu.vector_load %arg7[%get3A_212] {strides = array<i32>} : memref<512xi32, #tpu.memory_space<vmem>>, vector<16xi32>,
    %get3A_214 = vector.shape_cast %get3A_213 : vector<16xi32> to vector<16xi32>
    %max3A_215 = arith.constant 0 : i32
    %max3A_216 = vector.broadcast %max3A_215 : i32 to vector<16xi32>
    %max3A_217 = arith.maxsi %get3A_214, %max3A_216 : vector<16xi32>
    %min3A_218 = arith.constant 4 : i32
    %min3A_219 = vector.broadcast %min3A_218 : i32 to vector<16xi32>
    %min3A_220 = arith.minsi %max3A_217, %min3A_219 : vector<16xi32>
    %mul3A_221 = arith.constant 5 : i32
    %mul3A_222 = vector.broadcast %mul3A_221 : i32 to vector<16xi32>
    %mul3A_223 = arith.muli %min3A_211, %mul3A_222 : vector<16xi32>
    %add3A_224 = arith.addi %mul3A_223, %min3A_220 : vector<16xi32>
    %swap3A_225 = arith.constant 3 : i32
    %swap3A_226 = arith.index_cast %swap3A_225 : i32 to index
    %swap3A_227 = arith.constant 16 : index
    %swap3A_228 = tpu.vector_load %arg8[%swap3A_226, %swap3A_227] {strides = array<i32>} : memref<16x32xi32, #tpu.memory_space<vmem>>, vector<1x16xi32>,
    %swap3A_229 = vector.shape_cast %swap3A_228 : vector<1x16xi32> to vector<16xi32>
    %swap3A_230 = vector.shape_cast %add3A_224 : vector<16xi32> to vector<1x16xi32>
    tpu.vector_store %arg8[%swap3A_226, %swap3A_227], %swap3A_230 {strides = array<i32>} : memref<16x32xi32, #tpu.memory_space<vmem>>, vector<1x16xi32>,
    %get3A_231 = arith.constant 128 : index
    %get3A_232 = tpu.vector_load %arg6[%get3A_231] {strides = array<i32>} : memref<512xi32, #tpu.memory_space<vmem>>, vector<16xi32>,
    %get3A_233 = vector.shape_cast %get3A_232 : vector<16xi32> to vector<16xi32>
    %max3A_234 = arith.constant 0 : i32
    %max3A_235 = vector.broadcast %max3A_234 : i32 to vector<16xi32>
    %max3A_236 = arith.maxsi %get3A_233, %max3A_235 : vector<16xi32>
    %min3A_237 = arith.constant 9 : i32
    %min3A_238 = vector.broadcast %min3A_237 : i32 to vector<16xi32>
    %min3A_239 = arith.minsi %max3A_236, %min3A_238 : vector<16xi32>
    %get3A_240 = arith.constant 128 : index
    %get3A_241 = tpu.vector_load %arg7[%get3A_240] {strides = array<i32>} : memref<512xi32, #tpu.memory_space<vmem>>, vector<16xi32>,
    %get3A_242 = vector.shape_cast %get3A_241 : vector<16xi32> to vector<16xi32>
    %max3A_243 = arith.constant 0 : i32
    %max3A_244 = vector.broadcast %max3A_243 : i32 to vector<16xi32>
    %max3A_245 = arith.maxsi %get3A_242, %max3A_244 : vector<16xi32>
    %min3A_246 = arith.constant 4 : i32
    %min3A_247 = vector.broadcast %min3A_246 : i32 to vector<16xi32>
    %min3A_248 = arith.minsi %max3A_245, %min3A_247 : vector<16xi32>
    %mul3A_249 = arith.constant 5 : i32
    %mul3A_250 = vector.broadcast %mul3A_249 : i32 to vector<16xi32>
    %mul3A_251 = arith.muli %min3A_239, %mul3A_250 : vector<16xi32>
    %add3A_252 = arith.addi %mul3A_251, %min3A_248 : vector<16xi32>
    %swap3A_253 = arith.constant 4 : i32
    %swap3A_254 = arith.index_cast %swap3A_253 : i32 to index
    %swap3A_255 = arith.constant 0 : index
    %swap3A_256 = tpu.vector_load %arg8[%swap3A_254, %swap3A_255] {strides = array<i32>} : memref<16x32xi32, #tpu.memory_space<vmem>>, vector<1x16xi32>,
    %swap3A_257 = vector.shape_cast %swap3A_256 : vector<1x16xi32> to vector<16xi32>
    %swap3A_258 = vector.shape_cast %add3A_252 : vector<16xi32> to vector<1x16xi32>
    tpu.vector_store %arg8[%swap3A_254, %swap3A_255], %swap3A_258 {strides = array<i32>} : memref<16x32xi32, #tpu.memory_space<vmem>>, vector<1x16xi32>,
    %get3A_259 = arith.constant 144 : index
    %get3A_260 = tpu.vector_load %arg6[%get3A_259] {strides = array<i32>} : memref<512xi32, #tpu.memory_space<vmem>>, vector<16xi32>,
    %get3A_261 = vector.shape_cast %get3A_260 : vector<16xi32> to vector<16xi32>
    %max3A_262 = arith.constant 0 : i32
    %max3A_263 = vector.broadcast %max3A_262 : i32 to vector<16xi32>
    %max3A_264 = arith.maxsi %get3A_261, %max3A_263 : vector<16xi32>
    %min3A_265 = arith.constant 9 : i32
    %min3A_266 = vector.broadcast %min3A_265 : i32 to vector<16xi32>
    %min3A_267 = arith.minsi %max3A_264, %min3A_266 : vector<16xi32>
    %get3A_268 = arith.constant 144 : index
    %get3A_269 = tpu.vector_load %arg7[%get3A_268] {strides = array<i32>} : memref<512xi32, #tpu.memory_space<vmem>>, vector<16xi32>,
    %get3A_270 = vector.shape_cast %get3A_269 : vector<16xi32> to vector<16xi32>
    %max3A_271 = arith.constant 0 : i32
    %max3A_272 = vector.broadcast %max3A_271 : i32 to vector<16xi32>
    %max3A_273 = arith.maxsi %get3A_270, %max3A_272 : vector<16xi32>
    %min3A_274 = arith.constant 4 : i32
    %min3A_275 = vector.broadcast %min3A_274 : i32 to vector<16xi32>
    %min3A_276 = arith.minsi %max3A_273, %min3A_275 : vector<16xi32>
    %mul3A_277 = arith.constant 5 : i32
    %mul3A_278 = vector.broadcast %mul3A_277 : i32 to vector<16xi32>
    %mul3A_279 = arith.muli %min3A_267, %mul3A_278 : vector<16xi32>
    %add3A_280 = arith.addi %mul3A_279, %min3A_276 : vector<16xi32>
    %swap3A_281 = arith.constant 4 : i32
    %swap3A_282 = arith.index_cast %swap3A_281 : i32 to index
    %swap3A_283 = arith.constant 16 : index
    %swap3A_284 = tpu.vector_load %arg8[%swap3A_282, %swap3A_283] {strides = array<i32>} : memref<16x32xi32, #tpu.memory_space<vmem>>, vector<1x16xi32>,
    %swap3A_285 = vector.shape_cast %swap3A_284 : vector<1x16xi32> to vector<16xi32>
    %swap3A_286 = vector.shape_cast %add3A_280 : vector<16xi32> to vector<1x16xi32>
    tpu.vector_store %arg8[%swap3A_282, %swap3A_283], %swap3A_286 {strides = array<i32>} : memref<16x32xi32, #tpu.memory_space<vmem>>, vector<1x16xi32>,
    %get3A_287 = arith.constant 160 : index
    %get3A_288 = tpu.vector_load %arg6[%get3A_287] {strides = array<i32>} : memref<512xi32, #tpu.memory_space<vmem>>, vector<16xi32>,
    %get3A_289 = vector.shape_cast %get3A_288 : vector<16xi32> to vector<16xi32>
    %max3A_290 = arith.constant 0 : i32
    %max3A_291 = vector.broadcast %max3A_290 : i32 to vector<16xi32>
    %max3A_292 = arith.maxsi %get3A_289, %max3A_291 : vector<16xi32>
    %min3A_293 = arith.constant 9 : i32
    %min3A_294 = vector.broadcast %min3A_293 : i32 to vector<16xi32>
    %min3A_295 = arith.minsi %max3A_292, %min3A_294 : vector<16xi32>
    %get3A_296 = arith.constant 160 : index
    %get3A_297 = tpu.vector_load %arg7[%get3A_296] {strides = array<i32>} : memref<512xi32, #tpu.memory_space<vmem>>, vector<16xi32>,
    %get3A_298 = vector.shape_cast %get3A_297 : vector<16xi32> to vector<16xi32>
    %max3A_299 = arith.constant 0 : i32
    %max3A_300 = vector.broadcast %max3A_299 : i32 to vector<16xi32>
    %max3A_301 = arith.maxsi %get3A_298, %max3A_300 : vector<16xi32>
    %min3A_302 = arith.constant 4 : i32
    %min3A_303 = vector.broadcast %min3A_302 : i32 to vector<16xi32>
    %min3A_304 = arith.minsi %max3A_301, %min3A_303 : vector<16xi32>
    %mul3A_305 = arith.constant 5 : i32
    %mul3A_306 = vector.broadcast %mul3A_305 : i32 to vector<16xi32>
    %mul3A_307 = arith.muli %min3A_295, %mul3A_306 : vector<16xi32>
    %add3A_308 = arith.addi %mul3A_307, %min3A_304 : vector<16xi32>
    %swap3A_309 = arith.constant 5 : i32
    %swap3A_310 = arith.index_cast %swap3A_309 : i32 to index
    %swap3A_311 = arith.constant 0 : index
    %swap3A_312 = tpu.vector_load %arg8[%swap3A_310, %swap3A_311] {strides = array<i32>} : memref<16x32xi32, #tpu.memory_space<vmem>>, vector<1x16xi32>,
    %swap3A_313 = vector.shape_cast %swap3A_312 : vector<1x16xi32> to vector<16xi32>
    %swap3A_314 = vector.shape_cast %add3A_308 : vector<16xi32> to vector<1x16xi32>
    tpu.vector_store %arg8[%swap3A_310, %swap3A_311], %swap3A_314 {strides = array<i32>} : memref<16x32xi32, #tpu.memory_space<vmem>>, vector<1x16xi32>,
    %get3A_315 = arith.constant 176 : index
    %get3A_316 = tpu.vector_load %arg6[%get3A_315] {strides = array<i32>} : memref<512xi32, #tpu.memory_space<vmem>>, vector<16xi32>,
    %get3A_317 = vector.shape_cast %get3A_316 : vector<16xi32> to vector<16xi32>
    %max3A_318 = arith.constant 0 : i32
    %max3A_319 = vector.broadcast %max3A_318 : i32 to vector<16xi32>
    %max3A_320 = arith.maxsi %get3A_317, %max3A_319 : vector<16xi32>
    %min3A_321 = arith.constant 9 : i32
    %min3A_322 = vector.broadcast %min3A_321 : i32 to vector<16xi32>
    %min3A_323 = arith.minsi %max3A_320, %min3A_322 : vector<16xi32>
    %get3A_324 = arith.constant 176 : index
    %get3A_325 = tpu.vector_load %arg7[%get3A_324] {strides = array<i32>} : memref<512xi32, #tpu.memory_space<vmem>>, vector<16xi32>,
    %get3A_326 = vector.shape_cast %get3A_325 : vector<16xi32> to vector<16xi32>
    %max3A_327 = arith.constant 0 : i32
    %max3A_328 = vector.broadcast %max3A_327 : i32 to vector<16xi32>
    %max3A_329 = arith.maxsi %get3A_326, %max3A_328 : vector<16xi32>
    %min3A_330 = arith.constant 4 : i32
    %min3A_331 = vector.broadcast %min3A_330 : i32 to vector<16xi32>
    %min3A_332 = arith.minsi %max3A_329, %min3A_331 : vector<16xi32>
    %mul3A_333 = arith.constant 5 : i32
    %mul3A_334 = vector.broadcast %mul3A_333 : i32 to vector<16xi32>
    %mul3A_335 = arith.muli %min3A_323, %mul3A_334 : vector<16xi32>
    %add3A_336 = arith.addi %mul3A_335, %min3A_332 : vector<16xi32>
    %swap3A_337 = arith.constant 5 : i32
    %swap3A_338 = arith.index_cast %swap3A_337 : i32 to index
    %swap3A_339 = arith.constant 16 : index
    %swap3A_340 = tpu.vector_load %arg8[%swap3A_338, %swap3A_339] {strides = array<i32>} : memref<16x32xi32, #tpu.memory_space<vmem>>, vector<1x16xi32>,
    %swap3A_341 = vector.shape_cast %swap3A_340 : vector<1x16xi32> to vector<16xi32>
    %swap3A_342 = vector.shape_cast %add3A_336 : vector<16xi32> to vector<1x16xi32>
    tpu.vector_store %arg8[%swap3A_338, %swap3A_339], %swap3A_342 {strides = array<i32>} : memref<16x32xi32, #tpu.memory_space<vmem>>, vector<1x16xi32>,
    %get3A_343 = arith.constant 192 : index
    %get3A_344 = tpu.vector_load %arg6[%get3A_343] {strides = array<i32>} : memref<512xi32, #tpu.memory_space<vmem>>, vector<16xi32>,
    %get3A_345 = vector.shape_cast %get3A_344 : vector<16xi32> to vector<16xi32>
    %max3A_346 = arith.constant 0 : i32
    %max3A_347 = vector.broadcast %max3A_346 : i32 to vector<16xi32>
    %max3A_348 = arith.maxsi %get3A_345, %max3A_347 : vector<16xi32>
    %min3A_349 = arith.constant 9 : i32
    %min3A_350 = vector.broadcast %min3A_349 : i32 to vector<16xi32>
    %min3A_351 = arith.minsi %max3A_348, %min3A_350 : vector<16xi32>
    %get3A_352 = arith.constant 192 : index
    %get3A_353 = tpu.vector_load %arg7[%get3A_352] {strides = array<i32>} : memref<512xi32, #tpu.memory_space<vmem>>, vector<16xi32>,
    %get3A_354 = vector.shape_cast %get3A_353 : vector<16xi32> to vector<16xi32>
    %max3A_355 = arith.constant 0 : i32
    %max3A_356 = vector.broadcast %max3A_355 : i32 to vector<16xi32>
    %max3A_357 = arith.maxsi %get3A_354, %max3A_356 : vector<16xi32>
    %min3A_358 = arith.constant 4 : i32
    %min3A_359 = vector.broadcast %min3A_358 : i32 to vector<16xi32>
    %min3A_360 = arith.minsi %max3A_357, %min3A_359 : vector<16xi32>
    %mul3A_361 = arith.constant 5 : i32
    %mul3A_362 = vector.broadcast %mul3A_361 : i32 to vector<16xi32>
    %mul3A_363 = arith.muli %min3A_351, %mul3A_362 : vector<16xi32>
    %add3A_364 = arith.addi %mul3A_363, %min3A_360 : vector<16xi32>
    %swap3A_365 = arith.constant 6 : i32
    %swap3A_366 = arith.index_cast %swap3A_365 : i32 to index
    %swap3A_367 = arith.constant 0 : index
    %swap3A_368 = tpu.vector_load %arg8[%swap3A_366, %swap3A_367] {strides = array<i32>} : memref<16x32xi32, #tpu.memory_space<vmem>>, vector<1x16xi32>,
    %swap3A_369 = vector.shape_cast %swap3A_368 : vector<1x16xi32> to vector<16xi32>
    %swap3A_370 = vector.shape_cast %add3A_364 : vector<16xi32> to vector<1x16xi32>
    tpu.vector_store %arg8[%swap3A_366, %swap3A_367], %swap3A_370 {strides = array<i32>} : memref<16x32xi32, #tpu.memory_space<vmem>>, vector<1x16xi32>,
    %get3A_371 = arith.constant 208 : index
    %get3A_372 = tpu.vector_load %arg6[%get3A_371] {strides = array<i32>} : memref<512xi32, #tpu.memory_space<vmem>>, vector<16xi32>,
    %get3A_373 = vector.shape_cast %get3A_372 : vector<16xi32> to vector<16xi32>
    %max3A_374 = arith.constant 0 : i32
    %max3A_375 = vector.broadcast %max3A_374 : i32 to vector<16xi32>
    %max3A_376 = arith.maxsi %get3A_373, %max3A_375 : vector<16xi32>
    %min3A_377 = arith.constant 9 : i32
    %min3A_378 = vector.broadcast %min3A_377 : i32 to vector<16xi32>
    %min3A_379 = arith.minsi %max3A_376, %min3A_378 : vector<16xi32>
    %get3A_380 = arith.constant 208 : index
    %get3A_381 = tpu.vector_load %arg7[%get3A_380] {strides = array<i32>} : memref<512xi32, #tpu.memory_space<vmem>>, vector<16xi32>,
    %get3A_382 = vector.shape_cast %get3A_381 : vector<16xi32> to vector<16xi32>
    %max3A_383 = arith.constant 0 : i32
    %max3A_384 = vector.broadcast %max3A_383 : i32 to vector<16xi32>
    %max3A_385 = arith.maxsi %get3A_382, %max3A_384 : vector<16xi32>
    %min3A_386 = arith.constant 4 : i32
    %min3A_387 = vector.broadcast %min3A_386 : i32 to vector<16xi32>
    %min3A_388 = arith.minsi %max3A_385, %min3A_387 : vector<16xi32>
    %mul3A_389 = arith.constant 5 : i32
    %mul3A_390 = vector.broadcast %mul3A_389 : i32 to vector<16xi32>
    %mul3A_391 = arith.muli %min3A_379, %mul3A_390 : vector<16xi32>
    %add3A_392 = arith.addi %mul3A_391, %min3A_388 : vector<16xi32>
    %swap3A_393 = arith.constant 6 : i32
    %swap3A_394 = arith.index_cast %swap3A_393 : i32 to index
    %swap3A_395 = arith.constant 16 : index
    %swap3A_396 = tpu.vector_load %arg8[%swap3A_394, %swap3A_395] {strides = array<i32>} : memref<16x32xi32, #tpu.memory_space<vmem>>, vector<1x16xi32>,
    %swap3A_397 = vector.shape_cast %swap3A_396 : vector<1x16xi32> to vector<16xi32>
    %swap3A_398 = vector.shape_cast %add3A_392 : vector<16xi32> to vector<1x16xi32>
    tpu.vector_store %arg8[%swap3A_394, %swap3A_395], %swap3A_398 {strides = array<i32>} : memref<16x32xi32, #tpu.memory_space<vmem>>, vector<1x16xi32>,
    %get3A_399 = arith.constant 224 : index
    %get3A_400 = tpu.vector_load %arg6[%get3A_399] {strides = array<i32>} : memref<512xi32, #tpu.memory_space<vmem>>, vector<16xi32>,
    %get3A_401 = vector.shape_cast %get3A_400 : vector<16xi32> to vector<16xi32>
    %max3A_402 = arith.constant 0 : i32
    %max3A_403 = vector.broadcast %max3A_402 : i32 to vector<16xi32>
    %max3A_404 = arith.maxsi %get3A_401, %max3A_403 : vector<16xi32>
    %min3A_405 = arith.constant 9 : i32
    %min3A_406 = vector.broadcast %min3A_405 : i32 to vector<16xi32>
    %min3A_407 = arith.minsi %max3A_404, %min3A_406 : vector<16xi32>
    %get3A_408 = arith.constant 224 : index
    %get3A_409 = tpu.vector_load %arg7[%get3A_408] {strides = array<i32>} : memref<512xi32, #tpu.memory_space<vmem>>, vector<16xi32>,
    %get3A_410 = vector.shape_cast %get3A_409 : vector<16xi32> to vector<16xi32>
    %max3A_411 = arith.constant 0 : i32
    %max3A_412 = vector.broadcast %max3A_411 : i32 to vector<16xi32>
    %max3A_413 = arith.maxsi %get3A_410, %max3A_412 : vector<16xi32>
    %min3A_414 = arith.constant 4 : i32
    %min3A_415 = vector.broadcast %min3A_414 : i32 to vector<16xi32>
    %min3A_416 = arith.minsi %max3A_413, %min3A_415 : vector<16xi32>
    %mul3A_417 = arith.constant 5 : i32
    %mul3A_418 = vector.broadcast %mul3A_417 : i32 to vector<16xi32>
    %mul3A_419 = arith.muli %min3A_407, %mul3A_418 : vector<16xi32>
    %add3A_420 = arith.addi %mul3A_419, %min3A_416 : vector<16xi32>
    %swap3A_421 = arith.constant 7 : i32
    %swap3A_422 = arith.index_cast %swap3A_421 : i32 to index
    %swap3A_423 = arith.constant 0 : index
    %swap3A_424 = tpu.vector_load %arg8[%swap3A_422, %swap3A_423] {strides = array<i32>} : memref<16x32xi32, #tpu.memory_space<vmem>>, vector<1x16xi32>,
    %swap3A_425 = vector.shape_cast %swap3A_424 : vector<1x16xi32> to vector<16xi32>
    %swap3A_426 = vector.shape_cast %add3A_420 : vector<16xi32> to vector<1x16xi32>
    tpu.vector_store %arg8[%swap3A_422, %swap3A_423], %swap3A_426 {strides = array<i32>} : memref<16x32xi32, #tpu.memory_space<vmem>>, vector<1x16xi32>,
    %get3A_427 = arith.constant 240 : index
    %get3A_428 = tpu.vector_load %arg6[%get3A_427] {strides = array<i32>} : memref<512xi32, #tpu.memory_space<vmem>>, vector<16xi32>,
    %get3A_429 = vector.shape_cast %get3A_428 : vector<16xi32> to vector<16xi32>
    %max3A_430 = arith.constant 0 : i32
    %max3A_431 = vector.broadcast %max3A_430 : i32 to vector<16xi32>
    %max3A_432 = arith.maxsi %get3A_429, %max3A_431 : vector<16xi32>
    %min3A_433 = arith.constant 9 : i32
    %min3A_434 = vector.broadcast %min3A_433 : i32 to vector<16xi32>
    %min3A_435 = arith.minsi %max3A_432, %min3A_434 : vector<16xi32>
    %get3A_436 = arith.constant 240 : index
    %get3A_437 = tpu.vector_load %arg7[%get3A_436] {strides = array<i32>} : memref<512xi32, #tpu.memory_space<vmem>>, vector<16xi32>,
    %get3A_438 = vector.shape_cast %get3A_437 : vector<16xi32> to vector<16xi32>
    %max3A_439 = arith.constant 0 : i32
    %max3A_440 = vector.broadcast %max3A_439 : i32 to vector<16xi32>
    %max3A_441 = arith.maxsi %get3A_438, %max3A_440 : vector<16xi32>
    %min3A_442 = arith.constant 4 : i32
    %min3A_443 = vector.broadcast %min3A_442 : i32 to vector<16xi32>
    %min3A_444 = arith.minsi %max3A_441, %min3A_443 : vector<16xi32>
    %mul3A_445 = arith.constant 5 : i32
    %mul3A_446 = vector.broadcast %mul3A_445 : i32 to vector<16xi32>
    %mul3A_447 = arith.muli %min3A_435, %mul3A_446 : vector<16xi32>
    %add3A_448 = arith.addi %mul3A_447, %min3A_444 : vector<16xi32>
    %swap3A_449 = arith.constant 7 : i32
    %swap3A_450 = arith.index_cast %swap3A_449 : i32 to index
    %swap3A_451 = arith.constant 16 : index
    %swap3A_452 = tpu.vector_load %arg8[%swap3A_450, %swap3A_451] {strides = array<i32>} : memref<16x32xi32, #tpu.memory_space<vmem>>, vector<1x16xi32>,
    %swap3A_453 = vector.shape_cast %swap3A_452 : vector<1x16xi32> to vector<16xi32>
    %swap3A_454 = vector.shape_cast %add3A_448 : vector<16xi32> to vector<1x16xi32>
    tpu.vector_store %arg8[%swap3A_450, %swap3A_451], %swap3A_454 {strides = array<i32>} : memref<16x32xi32, #tpu.memory_space<vmem>>, vector<1x16xi32>,
    %get3A_455 = arith.constant 256 : index
    %get3A_456 = tpu.vector_load %arg6[%get3A_455] {strides = array<i32>} : memref<512xi32, #tpu.memory_space<vmem>>, vector<16xi32>,
    %get3A_457 = vector.shape_cast %get3A_456 : vector<16xi32> to vector<16xi32>
    %max3A_458 = arith.constant 0 : i32
    %max3A_459 = vector.broadcast %max3A_458 : i32 to vector<16xi32>
    %max3A_460 = arith.maxsi %get3A_457, %max3A_459 : vector<16xi32>
    %min3A_461 = arith.constant 9 : i32
    %min3A_462 = vector.broadcast %min3A_461 : i32 to vector<16xi32>
    %min3A_463 = arith.minsi %max3A_460, %min3A_462 : vector<16xi32>
    %get3A_464 = arith.constant 256 : index
    %get3A_465 = tpu.vector_load %arg7[%get3A_464] {strides = array<i32>} : memref<512xi32, #tpu.memory_space<vmem>>, vector<16xi32>,
    %get3A_466 = vector.shape_cast %get3A_465 : vector<16xi32> to vector<16xi32>
    %max3A_467 = arith.constant 0 : i32
    %max3A_468 = vector.broadcast %max3A_467 : i32 to vector<16xi32>
    %max3A_469 = arith.maxsi %get3A_466, %max3A_468 : vector<16xi32>
    %min3A_470 = arith.constant 4 : i32
    %min3A_471 = vector.broadcast %min3A_470 : i32 to vector<16xi32>
    %min3A_472 = arith.minsi %max3A_469, %min3A_471 : vector<16xi32>
    %mul3A_473 = arith.constant 5 : i32
    %mul3A_474 = vector.broadcast %mul3A_473 : i32 to vector<16xi32>
    %mul3A_475 = arith.muli %min3A_463, %mul3A_474 : vector<16xi32>
    %add3A_476 = arith.addi %mul3A_475, %min3A_472 : vector<16xi32>
    %swap3A_477 = arith.constant 8 : i32
    %swap3A_478 = arith.index_cast %swap3A_477 : i32 to index
    %swap3A_479 = arith.constant 0 : index
    %swap3A_480 = tpu.vector_load %arg8[%swap3A_478, %swap3A_479] {strides = array<i32>} : memref<16x32xi32, #tpu.memory_space<vmem>>, vector<1x16xi32>,
    %swap3A_481 = vector.shape_cast %swap3A_480 : vector<1x16xi32> to vector<16xi32>
    %swap3A_482 = vector.shape_cast %add3A_476 : vector<16xi32> to vector<1x16xi32>
    tpu.vector_store %arg8[%swap3A_478, %swap3A_479], %swap3A_482 {strides = array<i32>} : memref<16x32xi32, #tpu.memory_space<vmem>>, vector<1x16xi32>,
    %get3A_483 = arith.constant 272 : index
    %get3A_484 = tpu.vector_load %arg6[%get3A_483] {strides = array<i32>} : memref<512xi32, #tpu.memory_space<vmem>>, vector<16xi32>,
    %get3A_485 = vector.shape_cast %get3A_484 : vector<16xi32> to vector<16xi32>
    %max3A_486 = arith.constant 0 : i32
    %max3A_487 = vector.broadcast %max3A_486 : i32 to vector<16xi32>
    %max3A_488 = arith.maxsi %get3A_485, %max3A_487 : vector<16xi32>
    %min3A_489 = arith.constant 9 : i32
    %min3A_490 = vector.broadcast %min3A_489 : i32 to vector<16xi32>
    %min3A_491 = arith.minsi %max3A_488, %min3A_490 : vector<16xi32>
    %get3A_492 = arith.constant 272 : index
    %get3A_493 = tpu.vector_load %arg7[%get3A_492] {strides = array<i32>} : memref<512xi32, #tpu.memory_space<vmem>>, vector<16xi32>,
    %get3A_494 = vector.shape_cast %get3A_493 : vector<16xi32> to vector<16xi32>
    %max3A_495 = arith.constant 0 : i32
    %max3A_496 = vector.broadcast %max3A_495 : i32 to vector<16xi32>
    %max3A_497 = arith.maxsi %get3A_494, %max3A_496 : vector<16xi32>
    %min3A_498 = arith.constant 4 : i32
    %min3A_499 = vector.broadcast %min3A_498 : i32 to vector<16xi32>
    %min3A_500 = arith.minsi %max3A_497, %min3A_499 : vector<16xi32>
    %mul3A_501 = arith.constant 5 : i32
    %mul3A_502 = vector.broadcast %mul3A_501 : i32 to vector<16xi32>
    %mul3A_503 = arith.muli %min3A_491, %mul3A_502 : vector<16xi32>
    %add3A_504 = arith.addi %mul3A_503, %min3A_500 : vector<16xi32>
    %swap3A_505 = arith.constant 8 : i32
    %swap3A_506 = arith.index_cast %swap3A_505 : i32 to index
    %swap3A_507 = arith.constant 16 : index
    %swap3A_508 = tpu.vector_load %arg8[%swap3A_506, %swap3A_507] {strides = array<i32>} : memref<16x32xi32, #tpu.memory_space<vmem>>, vector<1x16xi32>,
    %swap3A_509 = vector.shape_cast %swap3A_508 : vector<1x16xi32> to vector<16xi32>
    %swap3A_510 = vector.shape_cast %add3A_504 : vector<16xi32> to vector<1x16xi32>
    tpu.vector_store %arg8[%swap3A_506, %swap3A_507], %swap3A_510 {strides = array<i32>} : memref<16x32xi32, #tpu.memory_space<vmem>>, vector<1x16xi32>,
    %get3A_511 = arith.constant 288 : index
    %get3A_512 = tpu.vector_load %arg6[%get3A_511] {strides = array<i32>} : memref<512xi32, #tpu.memory_space<vmem>>, vector<16xi32>,
    %get3A_513 = vector.shape_cast %get3A_512 : vector<16xi32> to vector<16xi32>
    %max3A_514 = arith.constant 0 : i32
    %max3A_515 = vector.broadcast %max3A_514 : i32 to vector<16xi32>
    %max3A_516 = arith.maxsi %get3A_513, %max3A_515 : vector<16xi32>
    %min3A_517 = arith.constant 9 : i32
    %min3A_518 = vector.broadcast %min3A_517 : i32 to vector<16xi32>
    %min3A_519 = arith.minsi %max3A_516, %min3A_518 : vector<16xi32>
    %get3A_520 = arith.constant 288 : index
    %get3A_521 = tpu.vector_load %arg7[%get3A_520] {strides = array<i32>} : memref<512xi32, #tpu.memory_space<vmem>>, vector<16xi32>,
    %get3A_522 = vector.shape_cast %get3A_521 : vector<16xi32> to vector<16xi32>
    %max3A_523 = arith.constant 0 : i32
    %max3A_524 = vector.broadcast %max3A_523 : i32 to vector<16xi32>
    %max3A_525 = arith.maxsi %get3A_522, %max3A_524 : vector<16xi32>
    %min3A_526 = arith.constant 4 : i32
    %min3A_527 = vector.broadcast %min3A_526 : i32 to vector<16xi32>
    %min3A_528 = arith.minsi %max3A_525, %min3A_527 : vector<16xi32>
    %mul3A_529 = arith.constant 5 : i32
    %mul3A_530 = vector.broadcast %mul3A_529 : i32 to vector<16xi32>
    %mul3A_531 = arith.muli %min3A_519, %mul3A_530 : vector<16xi32>
    %add3A_532 = arith.addi %mul3A_531, %min3A_528 : vector<16xi32>
    %swap3A_533 = arith.constant 9 : i32
    %swap3A_534 = arith.index_cast %swap3A_533 : i32 to index
    %swap3A_535 = arith.constant 0 : index
    %swap3A_536 = tpu.vector_load %arg8[%swap3A_534, %swap3A_535] {strides = array<i32>} : memref<16x32xi32, #tpu.memory_space<vmem>>, vector<1x16xi32>,
    %swap3A_537 = vector.shape_cast %swap3A_536 : vector<1x16xi32> to vector<16xi32>
    %swap3A_538 = vector.shape_cast %add3A_532 : vector<16xi32> to vector<1x16xi32>
    tpu.vector_store %arg8[%swap3A_534, %swap3A_535], %swap3A_538 {strides = array<i32>} : memref<16x32xi32, #tpu.memory_space<vmem>>, vector<1x16xi32>,
    %get3A_539 = arith.constant 304 : index
    %get3A_540 = tpu.vector_load %arg6[%get3A_539] {strides = array<i32>} : memref<512xi32, #tpu.memory_space<vmem>>, vector<16xi32>,
    %get3A_541 = vector.shape_cast %get3A_540 : vector<16xi32> to vector<16xi32>
    %max3A_542 = arith.constant 0 : i32
    %max3A_543 = vector.broadcast %max3A_542 : i32 to vector<16xi32>
    %max3A_544 = arith.maxsi %get3A_541, %max3A_543 : vector<16xi32>
    %min3A_545 = arith.constant 9 : i32
    %min3A_546 = vector.broadcast %min3A_545 : i32 to vector<16xi32>
    %min3A_547 = arith.minsi %max3A_544, %min3A_546 : vector<16xi32>
    %get3A_548 = arith.constant 304 : index
    %get3A_549 = tpu.vector_load %arg7[%get3A_548] {strides = array<i32>} : memref<512xi32, #tpu.memory_space<vmem>>, vector<16xi32>,
    %get3A_550 = vector.shape_cast %get3A_549 : vector<16xi32> to vector<16xi32>
    %max3A_551 = arith.constant 0 : i32
    %max3A_552 = vector.broadcast %max3A_551 : i32 to vector<16xi32>
    %max3A_553 = arith.maxsi %get3A_550, %max3A_552 : vector<16xi32>
    %min3A_554 = arith.constant 4 : i32
    %min3A_555 = vector.broadcast %min3A_554 : i32 to vector<16xi32>
    %min3A_556 = arith.minsi %max3A_553, %min3A_555 : vector<16xi32>
    %mul3A_557 = arith.constant 5 : i32
    %mul3A_558 = vector.broadcast %mul3A_557 : i32 to vector<16xi32>
    %mul3A_559 = arith.muli %min3A_547, %mul3A_558 : vector<16xi32>
    %add3A_560 = arith.addi %mul3A_559, %min3A_556 : vector<16xi32>
    %swap3A_561 = arith.constant 9 : i32
    %swap3A_562 = arith.index_cast %swap3A_561 : i32 to index
    %swap3A_563 = arith.constant 16 : index
    %swap3A_564 = tpu.vector_load %arg8[%swap3A_562, %swap3A_563] {strides = array<i32>} : memref<16x32xi32, #tpu.memory_space<vmem>>, vector<1x16xi32>,
    %swap3A_565 = vector.shape_cast %swap3A_564 : vector<1x16xi32> to vector<16xi32>
    %swap3A_566 = vector.shape_cast %add3A_560 : vector<16xi32> to vector<1x16xi32>
    tpu.vector_store %arg8[%swap3A_562, %swap3A_563], %swap3A_566 {strides = array<i32>} : memref<16x32xi32, #tpu.memory_space<vmem>>, vector<1x16xi32>,
    %get3A_567 = arith.constant 320 : index
    %get3A_568 = tpu.vector_load %arg6[%get3A_567] {strides = array<i32>} : memref<512xi32, #tpu.memory_space<vmem>>, vector<16xi32>,
    %get3A_569 = vector.shape_cast %get3A_568 : vector<16xi32> to vector<16xi32>
    %max3A_570 = arith.constant 0 : i32
    %max3A_571 = vector.broadcast %max3A_570 : i32 to vector<16xi32>
    %max3A_572 = arith.maxsi %get3A_569, %max3A_571 : vector<16xi32>
    %min3A_573 = arith.constant 9 : i32
    %min3A_574 = vector.broadcast %min3A_573 : i32 to vector<16xi32>
    %min3A_575 = arith.minsi %max3A_572, %min3A_574 : vector<16xi32>
    %get3A_576 = arith.constant 320 : index
    %get3A_577 = tpu.vector_load %arg7[%get3A_576] {strides = array<i32>} : memref<512xi32, #tpu.memory_space<vmem>>, vector<16xi32>,
    %get3A_578 = vector.shape_cast %get3A_577 : vector<16xi32> to vector<16xi32>
    %max3A_579 = arith.constant 0 : i32
    %max3A_580 = vector.broadcast %max3A_579 : i32 to vector<16xi32>
    %max3A_581 = arith.maxsi %get3A_578, %max3A_580 : vector<16xi32>
    %min3A_582 = arith.constant 4 : i32
    %min3A_583 = vector.broadcast %min3A_582 : i32 to vector<16xi32>
    %min3A_584 = arith.minsi %max3A_581, %min3A_583 : vector<16xi32>
    %mul3A_585 = arith.constant 5 : i32
    %mul3A_586 = vector.broadcast %mul3A_585 : i32 to vector<16xi32>
    %mul3A_587 = arith.muli %min3A_575, %mul3A_586 : vector<16xi32>
    %add3A_588 = arith.addi %mul3A_587, %min3A_584 : vector<16xi32>
    %swap3A_589 = arith.constant 10 : i32
    %swap3A_590 = arith.index_cast %swap3A_589 : i32 to index
    %swap3A_591 = arith.constant 0 : index
    %swap3A_592 = tpu.vector_load %arg8[%swap3A_590, %swap3A_591] {strides = array<i32>} : memref<16x32xi32, #tpu.memory_space<vmem>>, vector<1x16xi32>,
    %swap3A_593 = vector.shape_cast %swap3A_592 : vector<1x16xi32> to vector<16xi32>
    %swap3A_594 = vector.shape_cast %add3A_588 : vector<16xi32> to vector<1x16xi32>
    tpu.vector_store %arg8[%swap3A_590, %swap3A_591], %swap3A_594 {strides = array<i32>} : memref<16x32xi32, #tpu.memory_space<vmem>>, vector<1x16xi32>,
    %get3A_595 = arith.constant 336 : index
    %get3A_596 = tpu.vector_load %arg6[%get3A_595] {strides = array<i32>} : memref<512xi32, #tpu.memory_space<vmem>>, vector<16xi32>,
    %get3A_597 = vector.shape_cast %get3A_596 : vector<16xi32> to vector<16xi32>
    %max3A_598 = arith.constant 0 : i32
    %max3A_599 = vector.broadcast %max3A_598 : i32 to vector<16xi32>
    %max3A_600 = arith.maxsi %get3A_597, %max3A_599 : vector<16xi32>
    %min3A_601 = arith.constant 9 : i32
    %min3A_602 = vector.broadcast %min3A_601 : i32 to vector<16xi32>
    %min3A_603 = arith.minsi %max3A_600, %min3A_602 : vector<16xi32>
    %get3A_604 = arith.constant 336 : index
    %get3A_605 = tpu.vector_load %arg7[%get3A_604] {strides = array<i32>} : memref<512xi32, #tpu.memory_space<vmem>>, vector<16xi32>,
    %get3A_606 = vector.shape_cast %get3A_605 : vector<16xi32> to vector<16xi32>
    %max3A_607 = arith.constant 0 : i32
    %max3A_608 = vector.broadcast %max3A_607 : i32 to vector<16xi32>
    %max3A_609 = arith.maxsi %get3A_606, %max3A_608 : vector<16xi32>
    %min3A_610 = arith.constant 4 : i32
    %min3A_611 = vector.broadcast %min3A_610 : i32 to vector<16xi32>
    %min3A_612 = arith.minsi %max3A_609, %min3A_611 : vector<16xi32>
    %mul3A_613 = arith.constant 5 : i32
    %mul3A_614 = vector.broadcast %mul3A_613 : i32 to vector<16xi32>
    %mul3A_615 = arith.muli %min3A_603, %mul3A_614 : vector<16xi32>
    %add3A_616 = arith.addi %mul3A_615, %min3A_612 : vector<16xi32>
    %swap3A_617 = arith.constant 10 : i32
    %swap3A_618 = arith.index_cast %swap3A_617 : i32 to index
    %swap3A_619 = arith.constant 16 : index
    %swap3A_620 = tpu.vector_load %arg8[%swap3A_618, %swap3A_619] {strides = array<i32>} : memref<16x32xi32, #tpu.memory_space<vmem>>, vector<1x16xi32>,
    %swap3A_621 = vector.shape_cast %swap3A_620 : vector<1x16xi32> to vector<16xi32>
    %swap3A_622 = vector.shape_cast %add3A_616 : vector<16xi32> to vector<1x16xi32>
    tpu.vector_store %arg8[%swap3A_618, %swap3A_619], %swap3A_622 {strides = array<i32>} : memref<16x32xi32, #tpu.memory_space<vmem>>, vector<1x16xi32>,
    %get3A_623 = arith.constant 352 : index
    %get3A_624 = tpu.vector_load %arg6[%get3A_623] {strides = array<i32>} : memref<512xi32, #tpu.memory_space<vmem>>, vector<16xi32>,
    %get3A_625 = vector.shape_cast %get3A_624 : vector<16xi32> to vector<16xi32>
    %max3A_626 = arith.constant 0 : i32
    %max3A_627 = vector.broadcast %max3A_626 : i32 to vector<16xi32>
    %max3A_628 = arith.maxsi %get3A_625, %max3A_627 : vector<16xi32>
    %min3A_629 = arith.constant 9 : i32
    %min3A_630 = vector.broadcast %min3A_629 : i32 to vector<16xi32>
    %min3A_631 = arith.minsi %max3A_628, %min3A_630 : vector<16xi32>
    %get3A_632 = arith.constant 352 : index
    %get3A_633 = tpu.vector_load %arg7[%get3A_632] {strides = array<i32>} : memref<512xi32, #tpu.memory_space<vmem>>, vector<16xi32>,
    %get3A_634 = vector.shape_cast %get3A_633 : vector<16xi32> to vector<16xi32>
    %max3A_635 = arith.constant 0 : i32
    %max3A_636 = vector.broadcast %max3A_635 : i32 to vector<16xi32>
    %max3A_637 = arith.maxsi %get3A_634, %max3A_636 : vector<16xi32>
    %min3A_638 = arith.constant 4 : i32
    %min3A_639 = vector.broadcast %min3A_638 : i32 to vector<16xi32>
    %min3A_640 = arith.minsi %max3A_637, %min3A_639 : vector<16xi32>
    %mul3A_641 = arith.constant 5 : i32
    %mul3A_642 = vector.broadcast %mul3A_641 : i32 to vector<16xi32>
    %mul3A_643 = arith.muli %min3A_631, %mul3A_642 : vector<16xi32>
    %add3A_644 = arith.addi %mul3A_643, %min3A_640 : vector<16xi32>
    %swap3A_645 = arith.constant 11 : i32
    %swap3A_646 = arith.index_cast %swap3A_645 : i32 to index
    %swap3A_647 = arith.constant 0 : index
    %swap3A_648 = tpu.vector_load %arg8[%swap3A_646, %swap3A_647] {strides = array<i32>} : memref<16x32xi32, #tpu.memory_space<vmem>>, vector<1x16xi32>,
    %swap3A_649 = vector.shape_cast %swap3A_648 : vector<1x16xi32> to vector<16xi32>
    %swap3A_650 = vector.shape_cast %add3A_644 : vector<16xi32> to vector<1x16xi32>
    tpu.vector_store %arg8[%swap3A_646, %swap3A_647], %swap3A_650 {strides = array<i32>} : memref<16x32xi32, #tpu.memory_space<vmem>>, vector<1x16xi32>,
    %get3A_651 = arith.constant 368 : index
    %get3A_652 = tpu.vector_load %arg6[%get3A_651] {strides = array<i32>} : memref<512xi32, #tpu.memory_space<vmem>>, vector<16xi32>,
    %get3A_653 = vector.shape_cast %get3A_652 : vector<16xi32> to vector<16xi32>
    %max3A_654 = arith.constant 0 : i32
    %max3A_655 = vector.broadcast %max3A_654 : i32 to vector<16xi32>
    %max3A_656 = arith.maxsi %get3A_653, %max3A_655 : vector<16xi32>
    %min3A_657 = arith.constant 9 : i32
    %min3A_658 = vector.broadcast %min3A_657 : i32 to vector<16xi32>
    %min3A_659 = arith.minsi %max3A_656, %min3A_658 : vector<16xi32>
    %get3A_660 = arith.constant 368 : index
    %get3A_661 = tpu.vector_load %arg7[%get3A_660] {strides = array<i32>} : memref<512xi32, #tpu.memory_space<vmem>>, vector<16xi32>,
    %get3A_662 = vector.shape_cast %get3A_661 : vector<16xi32> to vector<16xi32>
    %max3A_663 = arith.constant 0 : i32
    %max3A_664 = vector.broadcast %max3A_663 : i32 to vector<16xi32>
    %max3A_665 = arith.maxsi %get3A_662, %max3A_664 : vector<16xi32>
    %min3A_666 = arith.constant 4 : i32
    %min3A_667 = vector.broadcast %min3A_666 : i32 to vector<16xi32>
    %min3A_668 = arith.minsi %max3A_665, %min3A_667 : vector<16xi32>
    %mul3A_669 = arith.constant 5 : i32
    %mul3A_670 = vector.broadcast %mul3A_669 : i32 to vector<16xi32>
    %mul3A_671 = arith.muli %min3A_659, %mul3A_670 : vector<16xi32>
    %add3A_672 = arith.addi %mul3A_671, %min3A_668 : vector<16xi32>
    %swap3A_673 = arith.constant 11 : i32
    %swap3A_674 = arith.index_cast %swap3A_673 : i32 to index
    %swap3A_675 = arith.constant 16 : index
    %swap3A_676 = tpu.vector_load %arg8[%swap3A_674, %swap3A_675] {strides = array<i32>} : memref<16x32xi32, #tpu.memory_space<vmem>>, vector<1x16xi32>,
    %swap3A_677 = vector.shape_cast %swap3A_676 : vector<1x16xi32> to vector<16xi32>
    %swap3A_678 = vector.shape_cast %add3A_672 : vector<16xi32> to vector<1x16xi32>
    tpu.vector_store %arg8[%swap3A_674, %swap3A_675], %swap3A_678 {strides = array<i32>} : memref<16x32xi32, #tpu.memory_space<vmem>>, vector<1x16xi32>,
    %get3A_679 = arith.constant 384 : index
    %get3A_680 = tpu.vector_load %arg6[%get3A_679] {strides = array<i32>} : memref<512xi32, #tpu.memory_space<vmem>>, vector<16xi32>,
    %get3A_681 = vector.shape_cast %get3A_680 : vector<16xi32> to vector<16xi32>
    %max3A_682 = arith.constant 0 : i32
    %max3A_683 = vector.broadcast %max3A_682 : i32 to vector<16xi32>
    %max3A_684 = arith.maxsi %get3A_681, %max3A_683 : vector<16xi32>
    %min3A_685 = arith.constant 9 : i32
    %min3A_686 = vector.broadcast %min3A_685 : i32 to vector<16xi32>
    %min3A_687 = arith.minsi %max3A_684, %min3A_686 : vector<16xi32>
    %get3A_688 = arith.constant 384 : index
    %get3A_689 = tpu.vector_load %arg7[%get3A_688] {strides = array<i32>} : memref<512xi32, #tpu.memory_space<vmem>>, vector<16xi32>,
    %get3A_690 = vector.shape_cast %get3A_689 : vector<16xi32> to vector<16xi32>
    %max3A_691 = arith.constant 0 : i32
    %max3A_692 = vector.broadcast %max3A_691 : i32 to vector<16xi32>
    %max3A_693 = arith.maxsi %get3A_690, %max3A_692 : vector<16xi32>
    %min3A_694 = arith.constant 4 : i32
    %min3A_695 = vector.broadcast %min3A_694 : i32 to vector<16xi32>
    %min3A_696 = arith.minsi %max3A_693, %min3A_695 : vector<16xi32>
    %mul3A_697 = arith.constant 5 : i32
    %mul3A_698 = vector.broadcast %mul3A_697 : i32 to vector<16xi32>
    %mul3A_699 = arith.muli %min3A_687, %mul3A_698 : vector<16xi32>
    %add3A_700 = arith.addi %mul3A_699, %min3A_696 : vector<16xi32>
    %swap3A_701 = arith.constant 12 : i32
    %swap3A_702 = arith.index_cast %swap3A_701 : i32 to index
    %swap3A_703 = arith.constant 0 : index
    %swap3A_704 = tpu.vector_load %arg8[%swap3A_702, %swap3A_703] {strides = array<i32>} : memref<16x32xi32, #tpu.memory_space<vmem>>, vector<1x16xi32>,
    %swap3A_705 = vector.shape_cast %swap3A_704 : vector<1x16xi32> to vector<16xi32>
    %swap3A_706 = vector.shape_cast %add3A_700 : vector<16xi32> to vector<1x16xi32>
    tpu.vector_store %arg8[%swap3A_702, %swap3A_703], %swap3A_706 {strides = array<i32>} : memref<16x32xi32, #tpu.memory_space<vmem>>, vector<1x16xi32>,
    %get3A_707 = arith.constant 400 : index
    %get3A_708 = tpu.vector_load %arg6[%get3A_707] {strides = array<i32>} : memref<512xi32, #tpu.memory_space<vmem>>, vector<16xi32>,
    %get3A_709 = vector.shape_cast %get3A_708 : vector<16xi32> to vector<16xi32>
    %max3A_710 = arith.constant 0 : i32
    %max3A_711 = vector.broadcast %max3A_710 : i32 to vector<16xi32>
    %max3A_712 = arith.maxsi %get3A_709, %max3A_711 : vector<16xi32>
    %min3A_713 = arith.constant 9 : i32
    %min3A_714 = vector.broadcast %min3A_713 : i32 to vector<16xi32>
    %min3A_715 = arith.minsi %max3A_712, %min3A_714 : vector<16xi32>
    %get3A_716 = arith.constant 400 : index
    %get3A_717 = tpu.vector_load %arg7[%get3A_716] {strides = array<i32>} : memref<512xi32, #tpu.memory_space<vmem>>, vector<16xi32>,
    %get3A_718 = vector.shape_cast %get3A_717 : vector<16xi32> to vector<16xi32>
    %max3A_719 = arith.constant 0 : i32
    %max3A_720 = vector.broadcast %max3A_719 : i32 to vector<16xi32>
    %max3A_721 = arith.maxsi %get3A_718, %max3A_720 : vector<16xi32>
    %min3A_722 = arith.constant 4 : i32
    %min3A_723 = vector.broadcast %min3A_722 : i32 to vector<16xi32>
    %min3A_724 = arith.minsi %max3A_721, %min3A_723 : vector<16xi32>
    %mul3A_725 = arith.constant 5 : i32
    %mul3A_726 = vector.broadcast %mul3A_725 : i32 to vector<16xi32>
    %mul3A_727 = arith.muli %min3A_715, %mul3A_726 : vector<16xi32>
    %add3A_728 = arith.addi %mul3A_727, %min3A_724 : vector<16xi32>
    %swap3A_729 = arith.constant 12 : i32
    %swap3A_730 = arith.index_cast %swap3A_729 : i32 to index
    %swap3A_731 = arith.constant 16 : index
    %swap3A_732 = tpu.vector_load %arg8[%swap3A_730, %swap3A_731] {strides = array<i32>} : memref<16x32xi32, #tpu.memory_space<vmem>>, vector<1x16xi32>,
    %swap3A_733 = vector.shape_cast %swap3A_732 : vector<1x16xi32> to vector<16xi32>
    %swap3A_734 = vector.shape_cast %add3A_728 : vector<16xi32> to vector<1x16xi32>
    tpu.vector_store %arg8[%swap3A_730, %swap3A_731], %swap3A_734 {strides = array<i32>} : memref<16x32xi32, #tpu.memory_space<vmem>>, vector<1x16xi32>,
    %get3A_735 = arith.constant 416 : index
    %get3A_736 = tpu.vector_load %arg6[%get3A_735] {strides = array<i32>} : memref<512xi32, #tpu.memory_space<vmem>>, vector<16xi32>,
    %get3A_737 = vector.shape_cast %get3A_736 : vector<16xi32> to vector<16xi32>
    %max3A_738 = arith.constant 0 : i32
    %max3A_739 = vector.broadcast %max3A_738 : i32 to vector<16xi32>
    %max3A_740 = arith.maxsi %get3A_737, %max3A_739 : vector<16xi32>
    %min3A_741 = arith.constant 9 : i32
    %min3A_742 = vector.broadcast %min3A_741 : i32 to vector<16xi32>
    %min3A_743 = arith.minsi %max3A_740, %min3A_742 : vector<16xi32>
    %get3A_744 = arith.constant 416 : index
    %get3A_745 = tpu.vector_load %arg7[%get3A_744] {strides = array<i32>} : memref<512xi32, #tpu.memory_space<vmem>>, vector<16xi32>,
    %get3A_746 = vector.shape_cast %get3A_745 : vector<16xi32> to vector<16xi32>
    %max3A_747 = arith.constant 0 : i32
    %max3A_748 = vector.broadcast %max3A_747 : i32 to vector<16xi32>
    %max3A_749 = arith.maxsi %get3A_746, %max3A_748 : vector<16xi32>
    %min3A_750 = arith.constant 4 : i32
    %min3A_751 = vector.broadcast %min3A_750 : i32 to vector<16xi32>
    %min3A_752 = arith.minsi %max3A_749, %min3A_751 : vector<16xi32>
    %mul3A_753 = arith.constant 5 : i32
    %mul3A_754 = vector.broadcast %mul3A_753 : i32 to vector<16xi32>
    %mul3A_755 = arith.muli %min3A_743, %mul3A_754 : vector<16xi32>
    %add3A_756 = arith.addi %mul3A_755, %min3A_752 : vector<16xi32>
    %swap3A_757 = arith.constant 13 : i32
    %swap3A_758 = arith.index_cast %swap3A_757 : i32 to index
    %swap3A_759 = arith.constant 0 : index
    %swap3A_760 = tpu.vector_load %arg8[%swap3A_758, %swap3A_759] {strides = array<i32>} : memref<16x32xi32, #tpu.memory_space<vmem>>, vector<1x16xi32>,
    %swap3A_761 = vector.shape_cast %swap3A_760 : vector<1x16xi32> to vector<16xi32>
    %swap3A_762 = vector.shape_cast %add3A_756 : vector<16xi32> to vector<1x16xi32>
    tpu.vector_store %arg8[%swap3A_758, %swap3A_759], %swap3A_762 {strides = array<i32>} : memref<16x32xi32, #tpu.memory_space<vmem>>, vector<1x16xi32>,
    %get3A_763 = arith.constant 432 : index
    %get3A_764 = tpu.vector_load %arg6[%get3A_763] {strides = array<i32>} : memref<512xi32, #tpu.memory_space<vmem>>, vector<16xi32>,
    %get3A_765 = vector.shape_cast %get3A_764 : vector<16xi32> to vector<16xi32>
    %max3A_766 = arith.constant 0 : i32
    %max3A_767 = vector.broadcast %max3A_766 : i32 to vector<16xi32>
    %max3A_768 = arith.maxsi %get3A_765, %max3A_767 : vector<16xi32>
    %min3A_769 = arith.constant 9 : i32
    %min3A_770 = vector.broadcast %min3A_769 : i32 to vector<16xi32>
    %min3A_771 = arith.minsi %max3A_768, %min3A_770 : vector<16xi32>
    %get3A_772 = arith.constant 432 : index
    %get3A_773 = tpu.vector_load %arg7[%get3A_772] {strides = array<i32>} : memref<512xi32, #tpu.memory_space<vmem>>, vector<16xi32>,
    %get3A_774 = vector.shape_cast %get3A_773 : vector<16xi32> to vector<16xi32>
    %max3A_775 = arith.constant 0 : i32
    %max3A_776 = vector.broadcast %max3A_775 : i32 to vector<16xi32>
    %max3A_777 = arith.maxsi %get3A_774, %max3A_776 : vector<16xi32>
    %min3A_778 = arith.constant 4 : i32
    %min3A_779 = vector.broadcast %min3A_778 : i32 to vector<16xi32>
    %min3A_780 = arith.minsi %max3A_777, %min3A_779 : vector<16xi32>
    %mul3A_781 = arith.constant 5 : i32
    %mul3A_782 = vector.broadcast %mul3A_781 : i32 to vector<16xi32>
    %mul3A_783 = arith.muli %min3A_771, %mul3A_782 : vector<16xi32>
    %add3A_784 = arith.addi %mul3A_783, %min3A_780 : vector<16xi32>
    %swap3A_785 = arith.constant 13 : i32
    %swap3A_786 = arith.index_cast %swap3A_785 : i32 to index
    %swap3A_787 = arith.constant 16 : index
    %swap3A_788 = tpu.vector_load %arg8[%swap3A_786, %swap3A_787] {strides = array<i32>} : memref<16x32xi32, #tpu.memory_space<vmem>>, vector<1x16xi32>,
    %swap3A_789 = vector.shape_cast %swap3A_788 : vector<1x16xi32> to vector<16xi32>
    %swap3A_790 = vector.shape_cast %add3A_784 : vector<16xi32> to vector<1x16xi32>
    tpu.vector_store %arg8[%swap3A_786, %swap3A_787], %swap3A_790 {strides = array<i32>} : memref<16x32xi32, #tpu.memory_space<vmem>>, vector<1x16xi32>,
    %get3A_791 = arith.constant 448 : index
    %get3A_792 = tpu.vector_load %arg6[%get3A_791] {strides = array<i32>} : memref<512xi32, #tpu.memory_space<vmem>>, vector<16xi32>,
    %get3A_793 = vector.shape_cast %get3A_792 : vector<16xi32> to vector<16xi32>
    %max3A_794 = arith.constant 0 : i32
    %max3A_795 = vector.broadcast %max3A_794 : i32 to vector<16xi32>
    %max3A_796 = arith.maxsi %get3A_793, %max3A_795 : vector<16xi32>
    %min3A_797 = arith.constant 9 : i32
    %min3A_798 = vector.broadcast %min3A_797 : i32 to vector<16xi32>
    %min3A_799 = arith.minsi %max3A_796, %min3A_798 : vector<16xi32>
    %get3A_800 = arith.constant 448 : index
    %get3A_801 = tpu.vector_load %arg7[%get3A_800] {strides = array<i32>} : memref<512xi32, #tpu.memory_space<vmem>>, vector<16xi32>,
    %get3A_802 = vector.shape_cast %get3A_801 : vector<16xi32> to vector<16xi32>
    %max3A_803 = arith.constant 0 : i32
    %max3A_804 = vector.broadcast %max3A_803 : i32 to vector<16xi32>
    %max3A_805 = arith.maxsi %get3A_802, %max3A_804 : vector<16xi32>
    %min3A_806 = arith.constant 4 : i32
    %min3A_807 = vector.broadcast %min3A_806 : i32 to vector<16xi32>
    %min3A_808 = arith.minsi %max3A_805, %min3A_807 : vector<16xi32>
    %mul3A_809 = arith.constant 5 : i32
    %mul3A_810 = vector.broadcast %mul3A_809 : i32 to vector<16xi32>
    %mul3A_811 = arith.muli %min3A_799, %mul3A_810 : vector<16xi32>
    %add3A_812 = arith.addi %mul3A_811, %min3A_808 : vector<16xi32>
    %swap3A_813 = arith.constant 14 : i32
    %swap3A_814 = arith.index_cast %swap3A_813 : i32 to index
    %swap3A_815 = arith.constant 0 : index
    %swap3A_816 = tpu.vector_load %arg8[%swap3A_814, %swap3A_815] {strides = array<i32>} : memref<16x32xi32, #tpu.memory_space<vmem>>, vector<1x16xi32>,
    %swap3A_817 = vector.shape_cast %swap3A_816 : vector<1x16xi32> to vector<16xi32>
    %swap3A_818 = vector.shape_cast %add3A_812 : vector<16xi32> to vector<1x16xi32>
    tpu.vector_store %arg8[%swap3A_814, %swap3A_815], %swap3A_818 {strides = array<i32>} : memref<16x32xi32, #tpu.memory_space<vmem>>, vector<1x16xi32>,
    %get3A_819 = arith.constant 464 : index
    %get3A_820 = tpu.vector_load %arg6[%get3A_819] {strides = array<i32>} : memref<512xi32, #tpu.memory_space<vmem>>, vector<16xi32>,
    %get3A_821 = vector.shape_cast %get3A_820 : vector<16xi32> to vector<16xi32>
    %max3A_822 = arith.constant 0 : i32
    %max3A_823 = vector.broadcast %max3A_822 : i32 to vector<16xi32>
    %max3A_824 = arith.maxsi %get3A_821, %max3A_823 : vector<16xi32>
    %min3A_825 = arith.constant 9 : i32
    %min3A_826 = vector.broadcast %min3A_825 : i32 to vector<16xi32>
    %min3A_827 = arith.minsi %max3A_824, %min3A_826 : vector<16xi32>
    %get3A_828 = arith.constant 464 : index
    %get3A_829 = tpu.vector_load %arg7[%get3A_828] {strides = array<i32>} : memref<512xi32, #tpu.memory_space<vmem>>, vector<16xi32>,
    %get3A_830 = vector.shape_cast %get3A_829 : vector<16xi32> to vector<16xi32>
    %max3A_831 = arith.constant 0 : i32
    %max3A_832 = vector.broadcast %max3A_831 : i32 to vector<16xi32>
    %max3A_833 = arith.maxsi %get3A_830, %max3A_832 : vector<16xi32>
    %min3A_834 = arith.constant 4 : i32
    %min3A_835 = vector.broadcast %min3A_834 : i32 to vector<16xi32>
    %min3A_836 = arith.minsi %max3A_833, %min3A_835 : vector<16xi32>
    %mul3A_837 = arith.constant 5 : i32
    %mul3A_838 = vector.broadcast %mul3A_837 : i32 to vector<16xi32>
    %mul3A_839 = arith.muli %min3A_827, %mul3A_838 : vector<16xi32>
    %add3A_840 = arith.addi %mul3A_839, %min3A_836 : vector<16xi32>
    %swap3A_841 = arith.constant 14 : i32
    %swap3A_842 = arith.index_cast %swap3A_841 : i32 to index
    %swap3A_843 = arith.constant 16 : index
    %swap3A_844 = tpu.vector_load %arg8[%swap3A_842, %swap3A_843] {strides = array<i32>} : memref<16x32xi32, #tpu.memory_space<vmem>>, vector<1x16xi32>,
    %swap3A_845 = vector.shape_cast %swap3A_844 : vector<1x16xi32> to vector<16xi32>
    %swap3A_846 = vector.shape_cast %add3A_840 : vector<16xi32> to vector<1x16xi32>
    tpu.vector_store %arg8[%swap3A_842, %swap3A_843], %swap3A_846 {strides = array<i32>} : memref<16x32xi32, #tpu.memory_space<vmem>>, vector<1x16xi32>,
    %get3A_847 = arith.constant 480 : index
    %get3A_848 = tpu.vector_load %arg6[%get3A_847] {strides = array<i32>} : memref<512xi32, #tpu.memory_space<vmem>>, vector<16xi32>,
    %get3A_849 = vector.shape_cast %get3A_848 : vector<16xi32> to vector<16xi32>
    %max3A_850 = arith.constant 0 : i32
    %max3A_851 = vector.broadcast %max3A_850 : i32 to vector<16xi32>
    %max3A_852 = arith.maxsi %get3A_849, %max3A_851 : vector<16xi32>
    %min3A_853 = arith.constant 9 : i32
    %min3A_854 = vector.broadcast %min3A_853 : i32 to vector<16xi32>
    %min3A_855 = arith.minsi %max3A_852, %min3A_854 : vector<16xi32>
    %get3A_856 = arith.constant 480 : index
    %get3A_857 = tpu.vector_load %arg7[%get3A_856] {strides = array<i32>} : memref<512xi32, #tpu.memory_space<vmem>>, vector<16xi32>,
    %get3A_858 = vector.shape_cast %get3A_857 : vector<16xi32> to vector<16xi32>
    %max3A_859 = arith.constant 0 : i32
    %max3A_860 = vector.broadcast %max3A_859 : i32 to vector<16xi32>
    %max3A_861 = arith.maxsi %get3A_858, %max3A_860 : vector<16xi32>
    %min3A_862 = arith.constant 4 : i32
    %min3A_863 = vector.broadcast %min3A_862 : i32 to vector<16xi32>
    %min3A_864 = arith.minsi %max3A_861, %min3A_863 : vector<16xi32>
    %mul3A_865 = arith.constant 5 : i32
    %mul3A_866 = vector.broadcast %mul3A_865 : i32 to vector<16xi32>
    %mul3A_867 = arith.muli %min3A_855, %mul3A_866 : vector<16xi32>
    %add3A_868 = arith.addi %mul3A_867, %min3A_864 : vector<16xi32>
    %swap3A_869 = arith.constant 15 : i32
    %swap3A_870 = arith.index_cast %swap3A_869 : i32 to index
    %swap3A_871 = arith.constant 0 : index
    %swap3A_872 = tpu.vector_load %arg8[%swap3A_870, %swap3A_871] {strides = array<i32>} : memref<16x32xi32, #tpu.memory_space<vmem>>, vector<1x16xi32>,
    %swap3A_873 = vector.shape_cast %swap3A_872 : vector<1x16xi32> to vector<16xi32>
    %swap3A_874 = vector.shape_cast %add3A_868 : vector<16xi32> to vector<1x16xi32>
    tpu.vector_store %arg8[%swap3A_870, %swap3A_871], %swap3A_874 {strides = array<i32>} : memref<16x32xi32, #tpu.memory_space<vmem>>, vector<1x16xi32>,
    %get3A_875 = arith.constant 496 : index
    %get3A_876 = tpu.vector_load %arg6[%get3A_875] {strides = array<i32>} : memref<512xi32, #tpu.memory_space<vmem>>, vector<16xi32>,
    %get3A_877 = vector.shape_cast %get3A_876 : vector<16xi32> to vector<16xi32>
    %max3A_878 = arith.constant 0 : i32
    %max3A_879 = vector.broadcast %max3A_878 : i32 to vector<16xi32>
    %max3A_880 = arith.maxsi %get3A_877, %max3A_879 : vector<16xi32>
    %min3A_881 = arith.constant 9 : i32
    %min3A_882 = vector.broadcast %min3A_881 : i32 to vector<16xi32>
    %min3A_883 = arith.minsi %max3A_880, %min3A_882 : vector<16xi32>
    %get3A_884 = arith.constant 496 : index
    %get3A_885 = tpu.vector_load %arg7[%get3A_884] {strides = array<i32>} : memref<512xi32, #tpu.memory_space<vmem>>, vector<16xi32>,
    %get3A_886 = vector.shape_cast %get3A_885 : vector<16xi32> to vector<16xi32>
    %max3A_887 = arith.constant 0 : i32
    %max3A_888 = vector.broadcast %max3A_887 : i32 to vector<16xi32>
    %max3A_889 = arith.maxsi %get3A_886, %max3A_888 : vector<16xi32>
    %min3A_890 = arith.constant 4 : i32
    %min3A_891 = vector.broadcast %min3A_890 : i32 to vector<16xi32>
    %min3A_892 = arith.minsi %max3A_889, %min3A_891 : vector<16xi32>
    %mul3A_893 = arith.constant 5 : i32
    %mul3A_894 = vector.broadcast %mul3A_893 : i32 to vector<16xi32>
    %mul3A_895 = arith.muli %min3A_883, %mul3A_894 : vector<16xi32>
    %add3A_896 = arith.addi %mul3A_895, %min3A_892 : vector<16xi32>
    %swap3A_897 = arith.constant 15 : i32
    %swap3A_898 = arith.index_cast %swap3A_897 : i32 to index
    %swap3A_899 = arith.constant 16 : index
    %swap3A_900 = tpu.vector_load %arg8[%swap3A_898, %swap3A_899] {strides = array<i32>} : memref<16x32xi32, #tpu.memory_space<vmem>>, vector<1x16xi32>,
    %swap3A_901 = vector.shape_cast %swap3A_900 : vector<1x16xi32> to vector<16xi32>
    %swap3A_902 = vector.shape_cast %add3A_896 : vector<16xi32> to vector<1x16xi32>
    tpu.vector_store %arg8[%swap3A_898, %swap3A_899], %swap3A_902 {strides = array<i32>} : memref<16x32xi32, #tpu.memory_space<vmem>>, vector<1x16xi32>,
    %eq3A_903 = arith.constant 0 : i32
    %eq3A_904 = arith.cmpi eq, %arg1, %eq3A_903 : i32
    %convert_element_type3A_905 = arith.extui %eq3A_904 : i1 to i32
    %cond3A_906 = arith.constant 0 : i32
    %cond3A_907 = arith.cmpi ne, %convert_element_type3A_905, %cond3A_906 : i32
    scf.if %cond3A_907 {
      tpu.wait_dma2 semaphore(%arg13 : memref<!tpu.dma_semaphore, #tpu.memory_space<semaphore_mem>>) src(%arg4 : memref<64x128xf32, #tpu.memory_space<hbm>>) dst(%arg9 : memref<64x128xf32, #tpu.memory_space<vmem_shared>>)
    } else {
    }
    %barrier3A = arith.constant 0 : index
    tpu.barrier barrier_id(%barrier3A)
    %dma_start3A_908 = arith.constant 0 : i32
    %dma_start3A_909 = arith.constant 0 : i32
    %dma_start3A_910 = arith.constant 0 : i32
    %dma_start3A_911 = tpu.memref_slice %arg10[%dma_start3A_909, %dma_start3A_910] : memref<512x128xf32, #tpu.memory_space<vmem>> -> memref<32x128xf32, #tpu.memory_space<vmem>>
    %dma_start3A_912 = arith.constant 0 : i32
    %dma_start3A_913 = tpu.memref_slice %arg8[%dma_start3A_908, %dma_start3A_912] : memref<16x32xi32, #tpu.memory_space<vmem>> -> memref<1x32xi32, #tpu.memory_space<vmem>>
    %dma_start3A_914 = tpu.memref_squeeze %dma_start3A_913 : memref<1x32xi32, #tpu.memory_space<vmem>> -> memref<32xi32, #tpu.memory_space<vmem>>
    %dma_start3A_915 = arith.constant 0 : i32
    %dma_start3A_916 = arith.constant 0 : i32
    %dma_start3A_917 = tpu.memref_slice %arg9[%dma_start3A_915, %dma_start3A_916] : memref<64x128xf32, #tpu.memory_space<vmem_shared>> -> memref<64x128xf32, #tpu.memory_space<vmem_shared>>
    tpu.enqueue_indirect_dma source(%dma_start3A_917 : memref<64x128xf32, #tpu.memory_space<vmem_shared>>) target(%dma_start3A_911 : memref<32x128xf32, #tpu.memory_space<vmem>>) offsets(%dma_start3A_914 : memref<32xi32, #tpu.memory_space<vmem>>) semaphore(%arg11 : memref<!tpu.dma_semaphore, #tpu.memory_space<semaphore_mem>>)
    %dma_start3A_918 = arith.constant 1 : i32
    %dma_start3A_919 = arith.constant 32 : i32
    %dma_start3A_920 = arith.constant 0 : i32
    %dma_start3A_921 = tpu.memref_slice %arg10[%dma_start3A_919, %dma_start3A_920] : memref<512x128xf32, #tpu.memory_space<vmem>> -> memref<32x128xf32, #tpu.memory_space<vmem>>
    %dma_start3A_922 = arith.constant 0 : i32
    %dma_start3A_923 = tpu.memref_slice %arg8[%dma_start3A_918, %dma_start3A_922] : memref<16x32xi32, #tpu.memory_space<vmem>> -> memref<1x32xi32, #tpu.memory_space<vmem>>
    %dma_start3A_924 = tpu.memref_squeeze %dma_start3A_923 : memref<1x32xi32, #tpu.memory_space<vmem>> -> memref<32xi32, #tpu.memory_space<vmem>>
    %dma_start3A_925 = arith.constant 0 : i32
    %dma_start3A_926 = arith.constant 0 : i32
    %dma_start3A_927 = tpu.memref_slice %arg9[%dma_start3A_925, %dma_start3A_926] : memref<64x128xf32, #tpu.memory_space<vmem_shared>> -> memref<64x128xf32, #tpu.memory_space<vmem_shared>>
    tpu.enqueue_indirect_dma source(%dma_start3A_927 : memref<64x128xf32, #tpu.memory_space<vmem_shared>>) target(%dma_start3A_921 : memref<32x128xf32, #tpu.memory_space<vmem>>) offsets(%dma_start3A_924 : memref<32xi32, #tpu.memory_space<vmem>>) semaphore(%arg11 : memref<!tpu.dma_semaphore, #tpu.memory_space<semaphore_mem>>)
    %dma_start3A_928 = arith.constant 2 : i32
    %dma_start3A_929 = arith.constant 64 : i32
    %dma_start3A_930 = arith.constant 0 : i32
    %dma_start3A_931 = tpu.memref_slice %arg10[%dma_start3A_929, %dma_start3A_930] : memref<512x128xf32, #tpu.memory_space<vmem>> -> memref<32x128xf32, #tpu.memory_space<vmem>>
    %dma_start3A_932 = arith.constant 0 : i32
    %dma_start3A_933 = tpu.memref_slice %arg8[%dma_start3A_928, %dma_start3A_932] : memref<16x32xi32, #tpu.memory_space<vmem>> -> memref<1x32xi32, #tpu.memory_space<vmem>>
    %dma_start3A_934 = tpu.memref_squeeze %dma_start3A_933 : memref<1x32xi32, #tpu.memory_space<vmem>> -> memref<32xi32, #tpu.memory_space<vmem>>
    %dma_start3A_935 = arith.constant 0 : i32
    %dma_start3A_936 = arith.constant 0 : i32
    %dma_start3A_937 = tpu.memref_slice %arg9[%dma_start3A_935, %dma_start3A_936] : memref<64x128xf32, #tpu.memory_space<vmem_shared>> -> memref<64x128xf32, #tpu.memory_space<vmem_shared>>
    tpu.enqueue_indirect_dma source(%dma_start3A_937 : memref<64x128xf32, #tpu.memory_space<vmem_shared>>) target(%dma_start3A_931 : memref<32x128xf32, #tpu.memory_space<vmem>>) offsets(%dma_start3A_934 : memref<32xi32, #tpu.memory_space<vmem>>) semaphore(%arg11 : memref<!tpu.dma_semaphore, #tpu.memory_space<semaphore_mem>>)
    %dma_start3A_938 = arith.constant 3 : i32
    %dma_start3A_939 = arith.constant 96 : i32
    %dma_start3A_940 = arith.constant 0 : i32
    %dma_start3A_941 = tpu.memref_slice %arg10[%dma_start3A_939, %dma_start3A_940] : memref<512x128xf32, #tpu.memory_space<vmem>> -> memref<32x128xf32, #tpu.memory_space<vmem>>
    %dma_start3A_942 = arith.constant 0 : i32
    %dma_start3A_943 = tpu.memref_slice %arg8[%dma_start3A_938, %dma_start3A_942] : memref<16x32xi32, #tpu.memory_space<vmem>> -> memref<1x32xi32, #tpu.memory_space<vmem>>
    %dma_start3A_944 = tpu.memref_squeeze %dma_start3A_943 : memref<1x32xi32, #tpu.memory_space<vmem>> -> memref<32xi32, #tpu.memory_space<vmem>>
    %dma_start3A_945 = arith.constant 0 : i32
    %dma_start3A_946 = arith.constant 0 : i32
    %dma_start3A_947 = tpu.memref_slice %arg9[%dma_start3A_945, %dma_start3A_946] : memref<64x128xf32, #tpu.memory_space<vmem_shared>> -> memref<64x128xf32, #tpu.memory_space<vmem_shared>>
    tpu.enqueue_indirect_dma source(%dma_start3A_947 : memref<64x128xf32, #tpu.memory_space<vmem_shared>>) target(%dma_start3A_941 : memref<32x128xf32, #tpu.memory_space<vmem>>) offsets(%dma_start3A_944 : memref<32xi32, #tpu.memory_space<vmem>>) semaphore(%arg11 : memref<!tpu.dma_semaphore, #tpu.memory_space<semaphore_mem>>)
    %dma_start3A_948 = arith.constant 4 : i32
    %dma_start3A_949 = arith.constant 128 : i32
    %dma_start3A_950 = arith.constant 0 : i32
    %dma_start3A_951 = tpu.memref_slice %arg10[%dma_start3A_949, %dma_start3A_950] : memref<512x128xf32, #tpu.memory_space<vmem>> -> memref<32x128xf32, #tpu.memory_space<vmem>>
    %dma_start3A_952 = arith.constant 0 : i32
    %dma_start3A_953 = tpu.memref_slice %arg8[%dma_start3A_948, %dma_start3A_952] : memref<16x32xi32, #tpu.memory_space<vmem>> -> memref<1x32xi32, #tpu.memory_space<vmem>>
    %dma_start3A_954 = tpu.memref_squeeze %dma_start3A_953 : memref<1x32xi32, #tpu.memory_space<vmem>> -> memref<32xi32, #tpu.memory_space<vmem>>
    %dma_start3A_955 = arith.constant 0 : i32
    %dma_start3A_956 = arith.constant 0 : i32
    %dma_start3A_957 = tpu.memref_slice %arg9[%dma_start3A_955, %dma_start3A_956] : memref<64x128xf32, #tpu.memory_space<vmem_shared>> -> memref<64x128xf32, #tpu.memory_space<vmem_shared>>
    tpu.enqueue_indirect_dma source(%dma_start3A_957 : memref<64x128xf32, #tpu.memory_space<vmem_shared>>) target(%dma_start3A_951 : memref<32x128xf32, #tpu.memory_space<vmem>>) offsets(%dma_start3A_954 : memref<32xi32, #tpu.memory_space<vmem>>) semaphore(%arg11 : memref<!tpu.dma_semaphore, #tpu.memory_space<semaphore_mem>>)
    %dma_start3A_958 = arith.constant 5 : i32
    %dma_start3A_959 = arith.constant 160 : i32
    %dma_start3A_960 = arith.constant 0 : i32
    %dma_start3A_961 = tpu.memref_slice %arg10[%dma_start3A_959, %dma_start3A_960] : memref<512x128xf32, #tpu.memory_space<vmem>> -> memref<32x128xf32, #tpu.memory_space<vmem>>
    %dma_start3A_962 = arith.constant 0 : i32
    %dma_start3A_963 = tpu.memref_slice %arg8[%dma_start3A_958, %dma_start3A_962] : memref<16x32xi32, #tpu.memory_space<vmem>> -> memref<1x32xi32, #tpu.memory_space<vmem>>
    %dma_start3A_964 = tpu.memref_squeeze %dma_start3A_963 : memref<1x32xi32, #tpu.memory_space<vmem>> -> memref<32xi32, #tpu.memory_space<vmem>>
    %dma_start3A_965 = arith.constant 0 : i32
    %dma_start3A_966 = arith.constant 0 : i32
    %dma_start3A_967 = tpu.memref_slice %arg9[%dma_start3A_965, %dma_start3A_966] : memref<64x128xf32, #tpu.memory_space<vmem_shared>> -> memref<64x128xf32, #tpu.memory_space<vmem_shared>>
    tpu.enqueue_indirect_dma source(%dma_start3A_967 : memref<64x128xf32, #tpu.memory_space<vmem_shared>>) target(%dma_start3A_961 : memref<32x128xf32, #tpu.memory_space<vmem>>) offsets(%dma_start3A_964 : memref<32xi32, #tpu.memory_space<vmem>>) semaphore(%arg11 : memref<!tpu.dma_semaphore, #tpu.memory_space<semaphore_mem>>)
    %dma_start3A_968 = arith.constant 6 : i32
    %dma_start3A_969 = arith.constant 192 : i32
    %dma_start3A_970 = arith.constant 0 : i32
    %dma_start3A_971 = tpu.memref_slice %arg10[%dma_start3A_969, %dma_start3A_970] : memref<512x128xf32, #tpu.memory_space<vmem>> -> memref<32x128xf32, #tpu.memory_space<vmem>>
    %dma_start3A_972 = arith.constant 0 : i32
    %dma_start3A_973 = tpu.memref_slice %arg8[%dma_start3A_968, %dma_start3A_972] : memref<16x32xi32, #tpu.memory_space<vmem>> -> memref<1x32xi32, #tpu.memory_space<vmem>>
    %dma_start3A_974 = tpu.memref_squeeze %dma_start3A_973 : memref<1x32xi32, #tpu.memory_space<vmem>> -> memref<32xi32, #tpu.memory_space<vmem>>
    %dma_start3A_975 = arith.constant 0 : i32
    %dma_start3A_976 = arith.constant 0 : i32
    %dma_start3A_977 = tpu.memref_slice %arg9[%dma_start3A_975, %dma_start3A_976] : memref<64x128xf32, #tpu.memory_space<vmem_shared>> -> memref<64x128xf32, #tpu.memory_space<vmem_shared>>
    tpu.enqueue_indirect_dma source(%dma_start3A_977 : memref<64x128xf32, #tpu.memory_space<vmem_shared>>) target(%dma_start3A_971 : memref<32x128xf32, #tpu.memory_space<vmem>>) offsets(%dma_start3A_974 : memref<32xi32, #tpu.memory_space<vmem>>) semaphore(%arg11 : memref<!tpu.dma_semaphore, #tpu.memory_space<semaphore_mem>>)
    %dma_start3A_978 = arith.constant 7 : i32
    %dma_start3A_979 = arith.constant 224 : i32
    %dma_start3A_980 = arith.constant 0 : i32
    %dma_start3A_981 = tpu.memref_slice %arg10[%dma_start3A_979, %dma_start3A_980] : memref<512x128xf32, #tpu.memory_space<vmem>> -> memref<32x128xf32, #tpu.memory_space<vmem>>
    %dma_start3A_982 = arith.constant 0 : i32
    %dma_start3A_983 = tpu.memref_slice %arg8[%dma_start3A_978, %dma_start3A_982] : memref<16x32xi32, #tpu.memory_space<vmem>> -> memref<1x32xi32, #tpu.memory_space<vmem>>
    %dma_start3A_984 = tpu.memref_squeeze %dma_start3A_983 : memref<1x32xi32, #tpu.memory_space<vmem>> -> memref<32xi32, #tpu.memory_space<vmem>>
    %dma_start3A_985 = arith.constant 0 : i32
    %dma_start3A_986 = arith.constant 0 : i32
    %dma_start3A_987 = tpu.memref_slice %arg9[%dma_start3A_985, %dma_start3A_986] : memref<64x128xf32, #tpu.memory_space<vmem_shared>> -> memref<64x128xf32, #tpu.memory_space<vmem_shared>>
    tpu.enqueue_indirect_dma source(%dma_start3A_987 : memref<64x128xf32, #tpu.memory_space<vmem_shared>>) target(%dma_start3A_981 : memref<32x128xf32, #tpu.memory_space<vmem>>) offsets(%dma_start3A_984 : memref<32xi32, #tpu.memory_space<vmem>>) semaphore(%arg11 : memref<!tpu.dma_semaphore, #tpu.memory_space<semaphore_mem>>)
    %dma_start3A_988 = arith.constant 8 : i32
    %dma_start3A_989 = arith.constant 256 : i32
    %dma_start3A_990 = arith.constant 0 : i32
    %dma_start3A_991 = tpu.memref_slice %arg10[%dma_start3A_989, %dma_start3A_990] : memref<512x128xf32, #tpu.memory_space<vmem>> -> memref<32x128xf32, #tpu.memory_space<vmem>>
    %dma_start3A_992 = arith.constant 0 : i32
    %dma_start3A_993 = tpu.memref_slice %arg8[%dma_start3A_988, %dma_start3A_992] : memref<16x32xi32, #tpu.memory_space<vmem>> -> memref<1x32xi32, #tpu.memory_space<vmem>>
    %dma_start3A_994 = tpu.memref_squeeze %dma_start3A_993 : memref<1x32xi32, #tpu.memory_space<vmem>> -> memref<32xi32, #tpu.memory_space<vmem>>
    %dma_start3A_995 = arith.constant 0 : i32
    %dma_start3A_996 = arith.constant 0 : i32
    %dma_start3A_997 = tpu.memref_slice %arg9[%dma_start3A_995, %dma_start3A_996] : memref<64x128xf32, #tpu.memory_space<vmem_shared>> -> memref<64x128xf32, #tpu.memory_space<vmem_shared>>
    tpu.enqueue_indirect_dma source(%dma_start3A_997 : memref<64x128xf32, #tpu.memory_space<vmem_shared>>) target(%dma_start3A_991 : memref<32x128xf32, #tpu.memory_space<vmem>>) offsets(%dma_start3A_994 : memref<32xi32, #tpu.memory_space<vmem>>) semaphore(%arg11 : memref<!tpu.dma_semaphore, #tpu.memory_space<semaphore_mem>>)
    %dma_start3A_998 = arith.constant 9 : i32
    %dma_start3A_999 = arith.constant 288 : i32
    %dma_start3A_1000 = arith.constant 0 : i32
    %dma_start3A_1001 = tpu.memref_slice %arg10[%dma_start3A_999, %dma_start3A_1000] : memref<512x128xf32, #tpu.memory_space<vmem>> -> memref<32x128xf32, #tpu.memory_space<vmem>>
    %dma_start3A_1002 = arith.constant 0 : i32
    %dma_start3A_1003 = tpu.memref_slice %arg8[%dma_start3A_998, %dma_start3A_1002] : memref<16x32xi32, #tpu.memory_space<vmem>> -> memref<1x32xi32, #tpu.memory_space<vmem>>
    %dma_start3A_1004 = tpu.memref_squeeze %dma_start3A_1003 : memref<1x32xi32, #tpu.memory_space<vmem>> -> memref<32xi32, #tpu.memory_space<vmem>>
    %dma_start3A_1005 = arith.constant 0 : i32
    %dma_start3A_1006 = arith.constant 0 : i32
    %dma_start3A_1007 = tpu.memref_slice %arg9[%dma_start3A_1005, %dma_start3A_1006] : memref<64x128xf32, #tpu.memory_space<vmem_shared>> -> memref<64x128xf32, #tpu.memory_space<vmem_shared>>
    tpu.enqueue_indirect_dma source(%dma_start3A_1007 : memref<64x128xf32, #tpu.memory_space<vmem_shared>>) target(%dma_start3A_1001 : memref<32x128xf32, #tpu.memory_space<vmem>>) offsets(%dma_start3A_1004 : memref<32xi32, #tpu.memory_space<vmem>>) semaphore(%arg11 : memref<!tpu.dma_semaphore, #tpu.memory_space<semaphore_mem>>)
    %dma_start3A_1008 = arith.constant 10 : i32
    %dma_start3A_1009 = arith.constant 320 : i32
    %dma_start3A_1010 = arith.constant 0 : i32
    %dma_start3A_1011 = tpu.memref_slice %arg10[%dma_start3A_1009, %dma_start3A_1010] : memref<512x128xf32, #tpu.memory_space<vmem>> -> memref<32x128xf32, #tpu.memory_space<vmem>>
    %dma_start3A_1012 = arith.constant 0 : i32
    %dma_start3A_1013 = tpu.memref_slice %arg8[%dma_start3A_1008, %dma_start3A_1012] : memref<16x32xi32, #tpu.memory_space<vmem>> -> memref<1x32xi32, #tpu.memory_space<vmem>>
    %dma_start3A_1014 = tpu.memref_squeeze %dma_start3A_1013 : memref<1x32xi32, #tpu.memory_space<vmem>> -> memref<32xi32, #tpu.memory_space<vmem>>
    %dma_start3A_1015 = arith.constant 0 : i32
    %dma_start3A_1016 = arith.constant 0 : i32
    %dma_start3A_1017 = tpu.memref_slice %arg9[%dma_start3A_1015, %dma_start3A_1016] : memref<64x128xf32, #tpu.memory_space<vmem_shared>> -> memref<64x128xf32, #tpu.memory_space<vmem_shared>>
    tpu.enqueue_indirect_dma source(%dma_start3A_1017 : memref<64x128xf32, #tpu.memory_space<vmem_shared>>) target(%dma_start3A_1011 : memref<32x128xf32, #tpu.memory_space<vmem>>) offsets(%dma_start3A_1014 : memref<32xi32, #tpu.memory_space<vmem>>) semaphore(%arg11 : memref<!tpu.dma_semaphore, #tpu.memory_space<semaphore_mem>>)
    %dma_start3A_1018 = arith.constant 11 : i32
    %dma_start3A_1019 = arith.constant 352 : i32
    %dma_start3A_1020 = arith.constant 0 : i32
    %dma_start3A_1021 = tpu.memref_slice %arg10[%dma_start3A_1019, %dma_start3A_1020] : memref<512x128xf32, #tpu.memory_space<vmem>> -> memref<32x128xf32, #tpu.memory_space<vmem>>
    %dma_start3A_1022 = arith.constant 0 : i32
    %dma_start3A_1023 = tpu.memref_slice %arg8[%dma_start3A_1018, %dma_start3A_1022] : memref<16x32xi32, #tpu.memory_space<vmem>> -> memref<1x32xi32, #tpu.memory_space<vmem>>
    %dma_start3A_1024 = tpu.memref_squeeze %dma_start3A_1023 : memref<1x32xi32, #tpu.memory_space<vmem>> -> memref<32xi32, #tpu.memory_space<vmem>>
    %dma_start3A_1025 = arith.constant 0 : i32
    %dma_start3A_1026 = arith.constant 0 : i32
    %dma_start3A_1027 = tpu.memref_slice %arg9[%dma_start3A_1025, %dma_start3A_1026] : memref<64x128xf32, #tpu.memory_space<vmem_shared>> -> memref<64x128xf32, #tpu.memory_space<vmem_shared>>
    tpu.enqueue_indirect_dma source(%dma_start3A_1027 : memref<64x128xf32, #tpu.memory_space<vmem_shared>>) target(%dma_start3A_1021 : memref<32x128xf32, #tpu.memory_space<vmem>>) offsets(%dma_start3A_1024 : memref<32xi32, #tpu.memory_space<vmem>>) semaphore(%arg11 : memref<!tpu.dma_semaphore, #tpu.memory_space<semaphore_mem>>)
    %dma_start3A_1028 = arith.constant 12 : i32
    %dma_start3A_1029 = arith.constant 384 : i32
    %dma_start3A_1030 = arith.constant 0 : i32
    %dma_start3A_1031 = tpu.memref_slice %arg10[%dma_start3A_1029, %dma_start3A_1030] : memref<512x128xf32, #tpu.memory_space<vmem>> -> memref<32x128xf32, #tpu.memory_space<vmem>>
    %dma_start3A_1032 = arith.constant 0 : i32
    %dma_start3A_1033 = tpu.memref_slice %arg8[%dma_start3A_1028, %dma_start3A_1032] : memref<16x32xi32, #tpu.memory_space<vmem>> -> memref<1x32xi32, #tpu.memory_space<vmem>>
    %dma_start3A_1034 = tpu.memref_squeeze %dma_start3A_1033 : memref<1x32xi32, #tpu.memory_space<vmem>> -> memref<32xi32, #tpu.memory_space<vmem>>
    %dma_start3A_1035 = arith.constant 0 : i32
    %dma_start3A_1036 = arith.constant 0 : i32
    %dma_start3A_1037 = tpu.memref_slice %arg9[%dma_start3A_1035, %dma_start3A_1036] : memref<64x128xf32, #tpu.memory_space<vmem_shared>> -> memref<64x128xf32, #tpu.memory_space<vmem_shared>>
    tpu.enqueue_indirect_dma source(%dma_start3A_1037 : memref<64x128xf32, #tpu.memory_space<vmem_shared>>) target(%dma_start3A_1031 : memref<32x128xf32, #tpu.memory_space<vmem>>) offsets(%dma_start3A_1034 : memref<32xi32, #tpu.memory_space<vmem>>) semaphore(%arg11 : memref<!tpu.dma_semaphore, #tpu.memory_space<semaphore_mem>>)
    %dma_start3A_1038 = arith.constant 13 : i32
    %dma_start3A_1039 = arith.constant 416 : i32
    %dma_start3A_1040 = arith.constant 0 : i32
    %dma_start3A_1041 = tpu.memref_slice %arg10[%dma_start3A_1039, %dma_start3A_1040] : memref<512x128xf32, #tpu.memory_space<vmem>> -> memref<32x128xf32, #tpu.memory_space<vmem>>
    %dma_start3A_1042 = arith.constant 0 : i32
    %dma_start3A_1043 = tpu.memref_slice %arg8[%dma_start3A_1038, %dma_start3A_1042] : memref<16x32xi32, #tpu.memory_space<vmem>> -> memref<1x32xi32, #tpu.memory_space<vmem>>
    %dma_start3A_1044 = tpu.memref_squeeze %dma_start3A_1043 : memref<1x32xi32, #tpu.memory_space<vmem>> -> memref<32xi32, #tpu.memory_space<vmem>>
    %dma_start3A_1045 = arith.constant 0 : i32
    %dma_start3A_1046 = arith.constant 0 : i32
    %dma_start3A_1047 = tpu.memref_slice %arg9[%dma_start3A_1045, %dma_start3A_1046] : memref<64x128xf32, #tpu.memory_space<vmem_shared>> -> memref<64x128xf32, #tpu.memory_space<vmem_shared>>
    tpu.enqueue_indirect_dma source(%dma_start3A_1047 : memref<64x128xf32, #tpu.memory_space<vmem_shared>>) target(%dma_start3A_1041 : memref<32x128xf32, #tpu.memory_space<vmem>>) offsets(%dma_start3A_1044 : memref<32xi32, #tpu.memory_space<vmem>>) semaphore(%arg11 : memref<!tpu.dma_semaphore, #tpu.memory_space<semaphore_mem>>)
    %dma_start3A_1048 = arith.constant 14 : i32
    %dma_start3A_1049 = arith.constant 448 : i32
    %dma_start3A_1050 = arith.constant 0 : i32
    %dma_start3A_1051 = tpu.memref_slice %arg10[%dma_start3A_1049, %dma_start3A_1050] : memref<512x128xf32, #tpu.memory_space<vmem>> -> memref<32x128xf32, #tpu.memory_space<vmem>>
    %dma_start3A_1052 = arith.constant 0 : i32
    %dma_start3A_1053 = tpu.memref_slice %arg8[%dma_start3A_1048, %dma_start3A_1052] : memref<16x32xi32, #tpu.memory_space<vmem>> -> memref<1x32xi32, #tpu.memory_space<vmem>>
    %dma_start3A_1054 = tpu.memref_squeeze %dma_start3A_1053 : memref<1x32xi32, #tpu.memory_space<vmem>> -> memref<32xi32, #tpu.memory_space<vmem>>
    %dma_start3A_1055 = arith.constant 0 : i32
    %dma_start3A_1056 = arith.constant 0 : i32
    %dma_start3A_1057 = tpu.memref_slice %arg9[%dma_start3A_1055, %dma_start3A_1056] : memref<64x128xf32, #tpu.memory_space<vmem_shared>> -> memref<64x128xf32, #tpu.memory_space<vmem_shared>>
    tpu.enqueue_indirect_dma source(%dma_start3A_1057 : memref<64x128xf32, #tpu.memory_space<vmem_shared>>) target(%dma_start3A_1051 : memref<32x128xf32, #tpu.memory_space<vmem>>) offsets(%dma_start3A_1054 : memref<32xi32, #tpu.memory_space<vmem>>) semaphore(%arg11 : memref<!tpu.dma_semaphore, #tpu.memory_space<semaphore_mem>>)
    %dma_start3A_1058 = arith.constant 15 : i32
    %dma_start3A_1059 = arith.constant 480 : i32
    %dma_start3A_1060 = arith.constant 0 : i32
    %dma_start3A_1061 = tpu.memref_slice %arg10[%dma_start3A_1059, %dma_start3A_1060] : memref<512x128xf32, #tpu.memory_space<vmem>> -> memref<32x128xf32, #tpu.memory_space<vmem>>
    %dma_start3A_1062 = arith.constant 0 : i32
    %dma_start3A_1063 = tpu.memref_slice %arg8[%dma_start3A_1058, %dma_start3A_1062] : memref<16x32xi32, #tpu.memory_space<vmem>> -> memref<1x32xi32, #tpu.memory_space<vmem>>
    %dma_start3A_1064 = tpu.memref_squeeze %dma_start3A_1063 : memref<1x32xi32, #tpu.memory_space<vmem>> -> memref<32xi32, #tpu.memory_space<vmem>>
    %dma_start3A_1065 = arith.constant 0 : i32
    %dma_start3A_1066 = arith.constant 0 : i32
    %dma_start3A_1067 = tpu.memref_slice %arg9[%dma_start3A_1065, %dma_start3A_1066] : memref<64x128xf32, #tpu.memory_space<vmem_shared>> -> memref<64x128xf32, #tpu.memory_space<vmem_shared>>
    tpu.enqueue_indirect_dma source(%dma_start3A_1067 : memref<64x128xf32, #tpu.memory_space<vmem_shared>>) target(%dma_start3A_1061 : memref<32x128xf32, #tpu.memory_space<vmem>>) offsets(%dma_start3A_1064 : memref<32xi32, #tpu.memory_space<vmem>>) semaphore(%arg11 : memref<!tpu.dma_semaphore, #tpu.memory_space<semaphore_mem>>)
    %dma_wait3A_1068 = arith.constant 0 : i32
    %dma_wait3A_1069 = arith.constant 0 : i32
    %dma_wait3A_1070 = arith.constant 0 : i32
    %dma_wait3A_1071 = tpu.memref_slice %arg10[%dma_wait3A_1069, %dma_wait3A_1070] : memref<512x128xf32, #tpu.memory_space<vmem>> -> memref<32x128xf32, #tpu.memory_space<vmem>>
    %dma_wait3A_1072 = arith.constant 0 : i32
    %dma_wait3A_1073 = tpu.memref_slice %arg8[%dma_wait3A_1068, %dma_wait3A_1072] : memref<16x32xi32, #tpu.memory_space<vmem>> -> memref<1x32xi32, #tpu.memory_space<vmem>>
    %dma_wait3A_1074 = tpu.memref_squeeze %dma_wait3A_1073 : memref<1x32xi32, #tpu.memory_space<vmem>> -> memref<32xi32, #tpu.memory_space<vmem>>
    %dma_wait3A_1075 = arith.constant 0 : i32
    %dma_wait3A_1076 = arith.constant 0 : i32
    %dma_wait3A_1077 = tpu.memref_slice %arg9[%dma_wait3A_1075, %dma_wait3A_1076] : memref<64x128xf32, #tpu.memory_space<vmem_shared>> -> memref<64x128xf32, #tpu.memory_space<vmem_shared>>
    tpu.wait_indirect_dma semaphore(%arg11 : memref<!tpu.dma_semaphore, #tpu.memory_space<semaphore_mem>>) src(%dma_wait3A_1077 : memref<64x128xf32, #tpu.memory_space<vmem_shared>>) dst(%dma_wait3A_1071 : memref<32x128xf32, #tpu.memory_space<vmem>>)
    %add3A_1078 = arith.constant 0 : i32
    %add3A_1079 = arith.addi %mul3A_2, %add3A_1078 : i32
    %dma_start3A_1080 = arith.constant 0 : i32
    %dma_start3A_1081 = arith.constant 0 : i32
    %dma_start3A_1082 = tpu.memref_slice %arg10[%dma_start3A_1080, %dma_start3A_1081] : memref<512x128xf32, #tpu.memory_space<vmem>> -> memref<32x128xf32, #tpu.memory_space<vmem>>
    %dma_start3A_1083 = arith.constant 0 : i32
    %dma_start3A_1084 = tpu.memref_slice %arg5[%add3A_1079, %dma_start3A_1083] : memref<16384x128xf32, #tpu.memory_space<hbm>> -> memref<32x128xf32, #tpu.memory_space<hbm>>
    %dma_start3A_1085 = arith.constant 0 : i32
    %dma_start3A_1086 = tpu.memref_slice %arg5[%add3A_1079, %dma_start3A_1085] : memref<16384x128xf32, #tpu.memory_space<hbm>> -> memref<32x128xf32, #tpu.memory_space<hbm>>
    %dma_start3A_1087 = arith.constant 0 : i32
    %dma_start3A_1088 = arith.constant 0 : i32
    %dma_start3A_1089 = tpu.memref_slice %arg10[%dma_start3A_1087, %dma_start3A_1088] : memref<512x128xf32, #tpu.memory_space<vmem>> -> memref<32x128xf32, #tpu.memory_space<vmem>>
    tpu.enqueue_dma source(%dma_start3A_1089 : memref<32x128xf32, #tpu.memory_space<vmem>>) target(%dma_start3A_1086 : memref<32x128xf32, #tpu.memory_space<hbm>>) target_semaphore(%arg12 : memref<!tpu.dma_semaphore, #tpu.memory_space<semaphore_mem>>)
    %dma_wait3A_1090 = arith.constant 1 : i32
    %dma_wait3A_1091 = arith.constant 32 : i32
    %dma_wait3A_1092 = arith.constant 0 : i32
    %dma_wait3A_1093 = tpu.memref_slice %arg10[%dma_wait3A_1091, %dma_wait3A_1092] : memref<512x128xf32, #tpu.memory_space<vmem>> -> memref<32x128xf32, #tpu.memory_space<vmem>>
    %dma_wait3A_1094 = arith.constant 0 : i32
    %dma_wait3A_1095 = tpu.memref_slice %arg8[%dma_wait3A_1090, %dma_wait3A_1094] : memref<16x32xi32, #tpu.memory_space<vmem>> -> memref<1x32xi32, #tpu.memory_space<vmem>>
    %dma_wait3A_1096 = tpu.memref_squeeze %dma_wait3A_1095 : memref<1x32xi32, #tpu.memory_space<vmem>> -> memref<32xi32, #tpu.memory_space<vmem>>
    %dma_wait3A_1097 = arith.constant 0 : i32
    %dma_wait3A_1098 = arith.constant 0 : i32
    %dma_wait3A_1099 = tpu.memref_slice %arg9[%dma_wait3A_1097, %dma_wait3A_1098] : memref<64x128xf32, #tpu.memory_space<vmem_shared>> -> memref<64x128xf32, #tpu.memory_space<vmem_shared>>
    tpu.wait_indirect_dma semaphore(%arg11 : memref<!tpu.dma_semaphore, #tpu.memory_space<semaphore_mem>>) src(%dma_wait3A_1099 : memref<64x128xf32, #tpu.memory_space<vmem_shared>>) dst(%dma_wait3A_1093 : memref<32x128xf32, #tpu.memory_space<vmem>>)
    %add3A_1100 = arith.constant 32 : i32
    %add3A_1101 = arith.addi %mul3A_2, %add3A_1100 : i32
    %dma_start3A_1102 = arith.constant 32 : i32
    %dma_start3A_1103 = arith.constant 0 : i32
    %dma_start3A_1104 = tpu.memref_slice %arg10[%dma_start3A_1102, %dma_start3A_1103] : memref<512x128xf32, #tpu.memory_space<vmem>> -> memref<32x128xf32, #tpu.memory_space<vmem>>
    %dma_start3A_1105 = arith.constant 0 : i32
    %dma_start3A_1106 = tpu.memref_slice %arg5[%add3A_1101, %dma_start3A_1105] : memref<16384x128xf32, #tpu.memory_space<hbm>> -> memref<32x128xf32, #tpu.memory_space<hbm>>
    %dma_start3A_1107 = arith.constant 0 : i32
    %dma_start3A_1108 = tpu.memref_slice %arg5[%add3A_1101, %dma_start3A_1107] : memref<16384x128xf32, #tpu.memory_space<hbm>> -> memref<32x128xf32, #tpu.memory_space<hbm>>
    %dma_start3A_1109 = arith.constant 32 : i32
    %dma_start3A_1110 = arith.constant 0 : i32
    %dma_start3A_1111 = tpu.memref_slice %arg10[%dma_start3A_1109, %dma_start3A_1110] : memref<512x128xf32, #tpu.memory_space<vmem>> -> memref<32x128xf32, #tpu.memory_space<vmem>>
    tpu.enqueue_dma source(%dma_start3A_1111 : memref<32x128xf32, #tpu.memory_space<vmem>>) target(%dma_start3A_1108 : memref<32x128xf32, #tpu.memory_space<hbm>>) target_semaphore(%arg12 : memref<!tpu.dma_semaphore, #tpu.memory_space<semaphore_mem>>)
    %dma_wait3A_1112 = arith.constant 2 : i32
    %dma_wait3A_1113 = arith.constant 64 : i32
    %dma_wait3A_1114 = arith.constant 0 : i32
    %dma_wait3A_1115 = tpu.memref_slice %arg10[%dma_wait3A_1113, %dma_wait3A_1114] : memref<512x128xf32, #tpu.memory_space<vmem>> -> memref<32x128xf32, #tpu.memory_space<vmem>>
    %dma_wait3A_1116 = arith.constant 0 : i32
    %dma_wait3A_1117 = tpu.memref_slice %arg8[%dma_wait3A_1112, %dma_wait3A_1116] : memref<16x32xi32, #tpu.memory_space<vmem>> -> memref<1x32xi32, #tpu.memory_space<vmem>>
    %dma_wait3A_1118 = tpu.memref_squeeze %dma_wait3A_1117 : memref<1x32xi32, #tpu.memory_space<vmem>> -> memref<32xi32, #tpu.memory_space<vmem>>
    %dma_wait3A_1119 = arith.constant 0 : i32
    %dma_wait3A_1120 = arith.constant 0 : i32
    %dma_wait3A_1121 = tpu.memref_slice %arg9[%dma_wait3A_1119, %dma_wait3A_1120] : memref<64x128xf32, #tpu.memory_space<vmem_shared>> -> memref<64x128xf32, #tpu.memory_space<vmem_shared>>
    tpu.wait_indirect_dma semaphore(%arg11 : memref<!tpu.dma_semaphore, #tpu.memory_space<semaphore_mem>>) src(%dma_wait3A_1121 : memref<64x128xf32, #tpu.memory_space<vmem_shared>>) dst(%dma_wait3A_1115 : memref<32x128xf32, #tpu.memory_space<vmem>>)
    %add3A_1122 = arith.constant 64 : i32
    %add3A_1123 = arith.addi %mul3A_2, %add3A_1122 : i32
    %dma_start3A_1124 = arith.constant 64 : i32
    %dma_start3A_1125 = arith.constant 0 : i32
    %dma_start3A_1126 = tpu.memref_slice %arg10[%dma_start3A_1124, %dma_start3A_1125] : memref<512x128xf32, #tpu.memory_space<vmem>> -> memref<32x128xf32, #tpu.memory_space<vmem>>
    %dma_start3A_1127 = arith.constant 0 : i32
    %dma_start3A_1128 = tpu.memref_slice %arg5[%add3A_1123, %dma_start3A_1127] : memref<16384x128xf32, #tpu.memory_space<hbm>> -> memref<32x128xf32, #tpu.memory_space<hbm>>
    %dma_start3A_1129 = arith.constant 0 : i32
    %dma_start3A_1130 = tpu.memref_slice %arg5[%add3A_1123, %dma_start3A_1129] : memref<16384x128xf32, #tpu.memory_space<hbm>> -> memref<32x128xf32, #tpu.memory_space<hbm>>
    %dma_start3A_1131 = arith.constant 64 : i32
    %dma_start3A_1132 = arith.constant 0 : i32
    %dma_start3A_1133 = tpu.memref_slice %arg10[%dma_start3A_1131, %dma_start3A_1132] : memref<512x128xf32, #tpu.memory_space<vmem>> -> memref<32x128xf32, #tpu.memory_space<vmem>>
    tpu.enqueue_dma source(%dma_start3A_1133 : memref<32x128xf32, #tpu.memory_space<vmem>>) target(%dma_start3A_1130 : memref<32x128xf32, #tpu.memory_space<hbm>>) target_semaphore(%arg12 : memref<!tpu.dma_semaphore, #tpu.memory_space<semaphore_mem>>)
    %dma_wait3A_1134 = arith.constant 3 : i32
    %dma_wait3A_1135 = arith.constant 96 : i32
    %dma_wait3A_1136 = arith.constant 0 : i32
    %dma_wait3A_1137 = tpu.memref_slice %arg10[%dma_wait3A_1135, %dma_wait3A_1136] : memref<512x128xf32, #tpu.memory_space<vmem>> -> memref<32x128xf32, #tpu.memory_space<vmem>>
    %dma_wait3A_1138 = arith.constant 0 : i32
    %dma_wait3A_1139 = tpu.memref_slice %arg8[%dma_wait3A_1134, %dma_wait3A_1138] : memref<16x32xi32, #tpu.memory_space<vmem>> -> memref<1x32xi32, #tpu.memory_space<vmem>>
    %dma_wait3A_1140 = tpu.memref_squeeze %dma_wait3A_1139 : memref<1x32xi32, #tpu.memory_space<vmem>> -> memref<32xi32, #tpu.memory_space<vmem>>
    %dma_wait3A_1141 = arith.constant 0 : i32
    %dma_wait3A_1142 = arith.constant 0 : i32
    %dma_wait3A_1143 = tpu.memref_slice %arg9[%dma_wait3A_1141, %dma_wait3A_1142] : memref<64x128xf32, #tpu.memory_space<vmem_shared>> -> memref<64x128xf32, #tpu.memory_space<vmem_shared>>
    tpu.wait_indirect_dma semaphore(%arg11 : memref<!tpu.dma_semaphore, #tpu.memory_space<semaphore_mem>>) src(%dma_wait3A_1143 : memref<64x128xf32, #tpu.memory_space<vmem_shared>>) dst(%dma_wait3A_1137 : memref<32x128xf32, #tpu.memory_space<vmem>>)
    %add3A_1144 = arith.constant 96 : i32
    %add3A_1145 = arith.addi %mul3A_2, %add3A_1144 : i32
    %dma_start3A_1146 = arith.constant 96 : i32
    %dma_start3A_1147 = arith.constant 0 : i32
    %dma_start3A_1148 = tpu.memref_slice %arg10[%dma_start3A_1146, %dma_start3A_1147] : memref<512x128xf32, #tpu.memory_space<vmem>> -> memref<32x128xf32, #tpu.memory_space<vmem>>
    %dma_start3A_1149 = arith.constant 0 : i32
    %dma_start3A_1150 = tpu.memref_slice %arg5[%add3A_1145, %dma_start3A_1149] : memref<16384x128xf32, #tpu.memory_space<hbm>> -> memref<32x128xf32, #tpu.memory_space<hbm>>
    %dma_start3A_1151 = arith.constant 0 : i32
    %dma_start3A_1152 = tpu.memref_slice %arg5[%add3A_1145, %dma_start3A_1151] : memref<16384x128xf32, #tpu.memory_space<hbm>> -> memref<32x128xf32, #tpu.memory_space<hbm>>
    %dma_start3A_1153 = arith.constant 96 : i32
    %dma_start3A_1154 = arith.constant 0 : i32
    %dma_start3A_1155 = tpu.memref_slice %arg10[%dma_start3A_1153, %dma_start3A_1154] : memref<512x128xf32, #tpu.memory_space<vmem>> -> memref<32x128xf32, #tpu.memory_space<vmem>>
    tpu.enqueue_dma source(%dma_start3A_1155 : memref<32x128xf32, #tpu.memory_space<vmem>>) target(%dma_start3A_1152 : memref<32x128xf32, #tpu.memory_space<hbm>>) target_semaphore(%arg12 : memref<!tpu.dma_semaphore, #tpu.memory_space<semaphore_mem>>)
    %dma_wait3A_1156 = arith.constant 4 : i32
    %dma_wait3A_1157 = arith.constant 128 : i32
    %dma_wait3A_1158 = arith.constant 0 : i32
    %dma_wait3A_1159 = tpu.memref_slice %arg10[%dma_wait3A_1157, %dma_wait3A_1158] : memref<512x128xf32, #tpu.memory_space<vmem>> -> memref<32x128xf32, #tpu.memory_space<vmem>>
    %dma_wait3A_1160 = arith.constant 0 : i32
    %dma_wait3A_1161 = tpu.memref_slice %arg8[%dma_wait3A_1156, %dma_wait3A_1160] : memref<16x32xi32, #tpu.memory_space<vmem>> -> memref<1x32xi32, #tpu.memory_space<vmem>>
    %dma_wait3A_1162 = tpu.memref_squeeze %dma_wait3A_1161 : memref<1x32xi32, #tpu.memory_space<vmem>> -> memref<32xi32, #tpu.memory_space<vmem>>
    %dma_wait3A_1163 = arith.constant 0 : i32
    %dma_wait3A_1164 = arith.constant 0 : i32
    %dma_wait3A_1165 = tpu.memref_slice %arg9[%dma_wait3A_1163, %dma_wait3A_1164] : memref<64x128xf32, #tpu.memory_space<vmem_shared>> -> memref<64x128xf32, #tpu.memory_space<vmem_shared>>
    tpu.wait_indirect_dma semaphore(%arg11 : memref<!tpu.dma_semaphore, #tpu.memory_space<semaphore_mem>>) src(%dma_wait3A_1165 : memref<64x128xf32, #tpu.memory_space<vmem_shared>>) dst(%dma_wait3A_1159 : memref<32x128xf32, #tpu.memory_space<vmem>>)
    %add3A_1166 = arith.constant 128 : i32
    %add3A_1167 = arith.addi %mul3A_2, %add3A_1166 : i32
    %dma_start3A_1168 = arith.constant 128 : i32
    %dma_start3A_1169 = arith.constant 0 : i32
    %dma_start3A_1170 = tpu.memref_slice %arg10[%dma_start3A_1168, %dma_start3A_1169] : memref<512x128xf32, #tpu.memory_space<vmem>> -> memref<32x128xf32, #tpu.memory_space<vmem>>
    %dma_start3A_1171 = arith.constant 0 : i32
    %dma_start3A_1172 = tpu.memref_slice %arg5[%add3A_1167, %dma_start3A_1171] : memref<16384x128xf32, #tpu.memory_space<hbm>> -> memref<32x128xf32, #tpu.memory_space<hbm>>
    %dma_start3A_1173 = arith.constant 0 : i32
    %dma_start3A_1174 = tpu.memref_slice %arg5[%add3A_1167, %dma_start3A_1173] : memref<16384x128xf32, #tpu.memory_space<hbm>> -> memref<32x128xf32, #tpu.memory_space<hbm>>
    %dma_start3A_1175 = arith.constant 128 : i32
    %dma_start3A_1176 = arith.constant 0 : i32
    %dma_start3A_1177 = tpu.memref_slice %arg10[%dma_start3A_1175, %dma_start3A_1176] : memref<512x128xf32, #tpu.memory_space<vmem>> -> memref<32x128xf32, #tpu.memory_space<vmem>>
    tpu.enqueue_dma source(%dma_start3A_1177 : memref<32x128xf32, #tpu.memory_space<vmem>>) target(%dma_start3A_1174 : memref<32x128xf32, #tpu.memory_space<hbm>>) target_semaphore(%arg12 : memref<!tpu.dma_semaphore, #tpu.memory_space<semaphore_mem>>)
    %dma_wait3A_1178 = arith.constant 5 : i32
    %dma_wait3A_1179 = arith.constant 160 : i32
    %dma_wait3A_1180 = arith.constant 0 : i32
    %dma_wait3A_1181 = tpu.memref_slice %arg10[%dma_wait3A_1179, %dma_wait3A_1180] : memref<512x128xf32, #tpu.memory_space<vmem>> -> memref<32x128xf32, #tpu.memory_space<vmem>>
    %dma_wait3A_1182 = arith.constant 0 : i32
    %dma_wait3A_1183 = tpu.memref_slice %arg8[%dma_wait3A_1178, %dma_wait3A_1182] : memref<16x32xi32, #tpu.memory_space<vmem>> -> memref<1x32xi32, #tpu.memory_space<vmem>>
    %dma_wait3A_1184 = tpu.memref_squeeze %dma_wait3A_1183 : memref<1x32xi32, #tpu.memory_space<vmem>> -> memref<32xi32, #tpu.memory_space<vmem>>
    %dma_wait3A_1185 = arith.constant 0 : i32
    %dma_wait3A_1186 = arith.constant 0 : i32
    %dma_wait3A_1187 = tpu.memref_slice %arg9[%dma_wait3A_1185, %dma_wait3A_1186] : memref<64x128xf32, #tpu.memory_space<vmem_shared>> -> memref<64x128xf32, #tpu.memory_space<vmem_shared>>
    tpu.wait_indirect_dma semaphore(%arg11 : memref<!tpu.dma_semaphore, #tpu.memory_space<semaphore_mem>>) src(%dma_wait3A_1187 : memref<64x128xf32, #tpu.memory_space<vmem_shared>>) dst(%dma_wait3A_1181 : memref<32x128xf32, #tpu.memory_space<vmem>>)
    %add3A_1188 = arith.constant 160 : i32
    %add3A_1189 = arith.addi %mul3A_2, %add3A_1188 : i32
    %dma_start3A_1190 = arith.constant 160 : i32
    %dma_start3A_1191 = arith.constant 0 : i32
    %dma_start3A_1192 = tpu.memref_slice %arg10[%dma_start3A_1190, %dma_start3A_1191] : memref<512x128xf32, #tpu.memory_space<vmem>> -> memref<32x128xf32, #tpu.memory_space<vmem>>
    %dma_start3A_1193 = arith.constant 0 : i32
    %dma_start3A_1194 = tpu.memref_slice %arg5[%add3A_1189, %dma_start3A_1193] : memref<16384x128xf32, #tpu.memory_space<hbm>> -> memref<32x128xf32, #tpu.memory_space<hbm>>
    %dma_start3A_1195 = arith.constant 0 : i32
    %dma_start3A_1196 = tpu.memref_slice %arg5[%add3A_1189, %dma_start3A_1195] : memref<16384x128xf32, #tpu.memory_space<hbm>> -> memref<32x128xf32, #tpu.memory_space<hbm>>
    %dma_start3A_1197 = arith.constant 160 : i32
    %dma_start3A_1198 = arith.constant 0 : i32
    %dma_start3A_1199 = tpu.memref_slice %arg10[%dma_start3A_1197, %dma_start3A_1198] : memref<512x128xf32, #tpu.memory_space<vmem>> -> memref<32x128xf32, #tpu.memory_space<vmem>>
    tpu.enqueue_dma source(%dma_start3A_1199 : memref<32x128xf32, #tpu.memory_space<vmem>>) target(%dma_start3A_1196 : memref<32x128xf32, #tpu.memory_space<hbm>>) target_semaphore(%arg12 : memref<!tpu.dma_semaphore, #tpu.memory_space<semaphore_mem>>)
    %dma_wait3A_1200 = arith.constant 6 : i32
    %dma_wait3A_1201 = arith.constant 192 : i32
    %dma_wait3A_1202 = arith.constant 0 : i32
    %dma_wait3A_1203 = tpu.memref_slice %arg10[%dma_wait3A_1201, %dma_wait3A_1202] : memref<512x128xf32, #tpu.memory_space<vmem>> -> memref<32x128xf32, #tpu.memory_space<vmem>>
    %dma_wait3A_1204 = arith.constant 0 : i32
    %dma_wait3A_1205 = tpu.memref_slice %arg8[%dma_wait3A_1200, %dma_wait3A_1204] : memref<16x32xi32, #tpu.memory_space<vmem>> -> memref<1x32xi32, #tpu.memory_space<vmem>>
    %dma_wait3A_1206 = tpu.memref_squeeze %dma_wait3A_1205 : memref<1x32xi32, #tpu.memory_space<vmem>> -> memref<32xi32, #tpu.memory_space<vmem>>
    %dma_wait3A_1207 = arith.constant 0 : i32
    %dma_wait3A_1208 = arith.constant 0 : i32
    %dma_wait3A_1209 = tpu.memref_slice %arg9[%dma_wait3A_1207, %dma_wait3A_1208] : memref<64x128xf32, #tpu.memory_space<vmem_shared>> -> memref<64x128xf32, #tpu.memory_space<vmem_shared>>
    tpu.wait_indirect_dma semaphore(%arg11 : memref<!tpu.dma_semaphore, #tpu.memory_space<semaphore_mem>>) src(%dma_wait3A_1209 : memref<64x128xf32, #tpu.memory_space<vmem_shared>>) dst(%dma_wait3A_1203 : memref<32x128xf32, #tpu.memory_space<vmem>>)
    %add3A_1210 = arith.constant 192 : i32
    %add3A_1211 = arith.addi %mul3A_2, %add3A_1210 : i32
    %dma_start3A_1212 = arith.constant 192 : i32
    %dma_start3A_1213 = arith.constant 0 : i32
    %dma_start3A_1214 = tpu.memref_slice %arg10[%dma_start3A_1212, %dma_start3A_1213] : memref<512x128xf32, #tpu.memory_space<vmem>> -> memref<32x128xf32, #tpu.memory_space<vmem>>
    %dma_start3A_1215 = arith.constant 0 : i32
    %dma_start3A_1216 = tpu.memref_slice %arg5[%add3A_1211, %dma_start3A_1215] : memref<16384x128xf32, #tpu.memory_space<hbm>> -> memref<32x128xf32, #tpu.memory_space<hbm>>
    %dma_start3A_1217 = arith.constant 0 : i32
    %dma_start3A_1218 = tpu.memref_slice %arg5[%add3A_1211, %dma_start3A_1217] : memref<16384x128xf32, #tpu.memory_space<hbm>> -> memref<32x128xf32, #tpu.memory_space<hbm>>
    %dma_start3A_1219 = arith.constant 192 : i32
    %dma_start3A_1220 = arith.constant 0 : i32
    %dma_start3A_1221 = tpu.memref_slice %arg10[%dma_start3A_1219, %dma_start3A_1220] : memref<512x128xf32, #tpu.memory_space<vmem>> -> memref<32x128xf32, #tpu.memory_space<vmem>>
    tpu.enqueue_dma source(%dma_start3A_1221 : memref<32x128xf32, #tpu.memory_space<vmem>>) target(%dma_start3A_1218 : memref<32x128xf32, #tpu.memory_space<hbm>>) target_semaphore(%arg12 : memref<!tpu.dma_semaphore, #tpu.memory_space<semaphore_mem>>)
    %dma_wait3A_1222 = arith.constant 7 : i32
    %dma_wait3A_1223 = arith.constant 224 : i32
    %dma_wait3A_1224 = arith.constant 0 : i32
    %dma_wait3A_1225 = tpu.memref_slice %arg10[%dma_wait3A_1223, %dma_wait3A_1224] : memref<512x128xf32, #tpu.memory_space<vmem>> -> memref<32x128xf32, #tpu.memory_space<vmem>>
    %dma_wait3A_1226 = arith.constant 0 : i32
    %dma_wait3A_1227 = tpu.memref_slice %arg8[%dma_wait3A_1222, %dma_wait3A_1226] : memref<16x32xi32, #tpu.memory_space<vmem>> -> memref<1x32xi32, #tpu.memory_space<vmem>>
    %dma_wait3A_1228 = tpu.memref_squeeze %dma_wait3A_1227 : memref<1x32xi32, #tpu.memory_space<vmem>> -> memref<32xi32, #tpu.memory_space<vmem>>
    %dma_wait3A_1229 = arith.constant 0 : i32
    %dma_wait3A_1230 = arith.constant 0 : i32
    %dma_wait3A_1231 = tpu.memref_slice %arg9[%dma_wait3A_1229, %dma_wait3A_1230] : memref<64x128xf32, #tpu.memory_space<vmem_shared>> -> memref<64x128xf32, #tpu.memory_space<vmem_shared>>
    tpu.wait_indirect_dma semaphore(%arg11 : memref<!tpu.dma_semaphore, #tpu.memory_space<semaphore_mem>>) src(%dma_wait3A_1231 : memref<64x128xf32, #tpu.memory_space<vmem_shared>>) dst(%dma_wait3A_1225 : memref<32x128xf32, #tpu.memory_space<vmem>>)
    %add3A_1232 = arith.constant 224 : i32
    %add3A_1233 = arith.addi %mul3A_2, %add3A_1232 : i32
    %dma_start3A_1234 = arith.constant 224 : i32
    %dma_start3A_1235 = arith.constant 0 : i32
    %dma_start3A_1236 = tpu.memref_slice %arg10[%dma_start3A_1234, %dma_start3A_1235] : memref<512x128xf32, #tpu.memory_space<vmem>> -> memref<32x128xf32, #tpu.memory_space<vmem>>
    %dma_start3A_1237 = arith.constant 0 : i32
    %dma_start3A_1238 = tpu.memref_slice %arg5[%add3A_1233, %dma_start3A_1237] : memref<16384x128xf32, #tpu.memory_space<hbm>> -> memref<32x128xf32, #tpu.memory_space<hbm>>
    %dma_start3A_1239 = arith.constant 0 : i32
    %dma_start3A_1240 = tpu.memref_slice %arg5[%add3A_1233, %dma_start3A_1239] : memref<16384x128xf32, #tpu.memory_space<hbm>> -> memref<32x128xf32, #tpu.memory_space<hbm>>
    %dma_start3A_1241 = arith.constant 224 : i32
    %dma_start3A_1242 = arith.constant 0 : i32
    %dma_start3A_1243 = tpu.memref_slice %arg10[%dma_start3A_1241, %dma_start3A_1242] : memref<512x128xf32, #tpu.memory_space<vmem>> -> memref<32x128xf32, #tpu.memory_space<vmem>>
    tpu.enqueue_dma source(%dma_start3A_1243 : memref<32x128xf32, #tpu.memory_space<vmem>>) target(%dma_start3A_1240 : memref<32x128xf32, #tpu.memory_space<hbm>>) target_semaphore(%arg12 : memref<!tpu.dma_semaphore, #tpu.memory_space<semaphore_mem>>)
    %dma_wait3A_1244 = arith.constant 8 : i32
    %dma_wait3A_1245 = arith.constant 256 : i32
    %dma_wait3A_1246 = arith.constant 0 : i32
    %dma_wait3A_1247 = tpu.memref_slice %arg10[%dma_wait3A_1245, %dma_wait3A_1246] : memref<512x128xf32, #tpu.memory_space<vmem>> -> memref<32x128xf32, #tpu.memory_space<vmem>>
    %dma_wait3A_1248 = arith.constant 0 : i32
    %dma_wait3A_1249 = tpu.memref_slice %arg8[%dma_wait3A_1244, %dma_wait3A_1248] : memref<16x32xi32, #tpu.memory_space<vmem>> -> memref<1x32xi32, #tpu.memory_space<vmem>>
    %dma_wait3A_1250 = tpu.memref_squeeze %dma_wait3A_1249 : memref<1x32xi32, #tpu.memory_space<vmem>> -> memref<32xi32, #tpu.memory_space<vmem>>
    %dma_wait3A_1251 = arith.constant 0 : i32
    %dma_wait3A_1252 = arith.constant 0 : i32
    %dma_wait3A_1253 = tpu.memref_slice %arg9[%dma_wait3A_1251, %dma_wait3A_1252] : memref<64x128xf32, #tpu.memory_space<vmem_shared>> -> memref<64x128xf32, #tpu.memory_space<vmem_shared>>
    tpu.wait_indirect_dma semaphore(%arg11 : memref<!tpu.dma_semaphore, #tpu.memory_space<semaphore_mem>>) src(%dma_wait3A_1253 : memref<64x128xf32, #tpu.memory_space<vmem_shared>>) dst(%dma_wait3A_1247 : memref<32x128xf32, #tpu.memory_space<vmem>>)
    %add3A_1254 = arith.constant 256 : i32
    %add3A_1255 = arith.addi %mul3A_2, %add3A_1254 : i32
    %dma_start3A_1256 = arith.constant 256 : i32
    %dma_start3A_1257 = arith.constant 0 : i32
    %dma_start3A_1258 = tpu.memref_slice %arg10[%dma_start3A_1256, %dma_start3A_1257] : memref<512x128xf32, #tpu.memory_space<vmem>> -> memref<32x128xf32, #tpu.memory_space<vmem>>
    %dma_start3A_1259 = arith.constant 0 : i32
    %dma_start3A_1260 = tpu.memref_slice %arg5[%add3A_1255, %dma_start3A_1259] : memref<16384x128xf32, #tpu.memory_space<hbm>> -> memref<32x128xf32, #tpu.memory_space<hbm>>
    %dma_start3A_1261 = arith.constant 0 : i32
    %dma_start3A_1262 = tpu.memref_slice %arg5[%add3A_1255, %dma_start3A_1261] : memref<16384x128xf32, #tpu.memory_space<hbm>> -> memref<32x128xf32, #tpu.memory_space<hbm>>
    %dma_start3A_1263 = arith.constant 256 : i32
    %dma_start3A_1264 = arith.constant 0 : i32
    %dma_start3A_1265 = tpu.memref_slice %arg10[%dma_start3A_1263, %dma_start3A_1264] : memref<512x128xf32, #tpu.memory_space<vmem>> -> memref<32x128xf32, #tpu.memory_space<vmem>>
    tpu.enqueue_dma source(%dma_start3A_1265 : memref<32x128xf32, #tpu.memory_space<vmem>>) target(%dma_start3A_1262 : memref<32x128xf32, #tpu.memory_space<hbm>>) target_semaphore(%arg12 : memref<!tpu.dma_semaphore, #tpu.memory_space<semaphore_mem>>)
    %dma_wait3A_1266 = arith.constant 9 : i32
    %dma_wait3A_1267 = arith.constant 288 : i32
    %dma_wait3A_1268 = arith.constant 0 : i32
    %dma_wait3A_1269 = tpu.memref_slice %arg10[%dma_wait3A_1267, %dma_wait3A_1268] : memref<512x128xf32, #tpu.memory_space<vmem>> -> memref<32x128xf32, #tpu.memory_space<vmem>>
    %dma_wait3A_1270 = arith.constant 0 : i32
    %dma_wait3A_1271 = tpu.memref_slice %arg8[%dma_wait3A_1266, %dma_wait3A_1270] : memref<16x32xi32, #tpu.memory_space<vmem>> -> memref<1x32xi32, #tpu.memory_space<vmem>>
    %dma_wait3A_1272 = tpu.memref_squeeze %dma_wait3A_1271 : memref<1x32xi32, #tpu.memory_space<vmem>> -> memref<32xi32, #tpu.memory_space<vmem>>
    %dma_wait3A_1273 = arith.constant 0 : i32
    %dma_wait3A_1274 = arith.constant 0 : i32
    %dma_wait3A_1275 = tpu.memref_slice %arg9[%dma_wait3A_1273, %dma_wait3A_1274] : memref<64x128xf32, #tpu.memory_space<vmem_shared>> -> memref<64x128xf32, #tpu.memory_space<vmem_shared>>
    tpu.wait_indirect_dma semaphore(%arg11 : memref<!tpu.dma_semaphore, #tpu.memory_space<semaphore_mem>>) src(%dma_wait3A_1275 : memref<64x128xf32, #tpu.memory_space<vmem_shared>>) dst(%dma_wait3A_1269 : memref<32x128xf32, #tpu.memory_space<vmem>>)
    %add3A_1276 = arith.constant 288 : i32
    %add3A_1277 = arith.addi %mul3A_2, %add3A_1276 : i32
    %dma_start3A_1278 = arith.constant 288 : i32
    %dma_start3A_1279 = arith.constant 0 : i32
    %dma_start3A_1280 = tpu.memref_slice %arg10[%dma_start3A_1278, %dma_start3A_1279] : memref<512x128xf32, #tpu.memory_space<vmem>> -> memref<32x128xf32, #tpu.memory_space<vmem>>
    %dma_start3A_1281 = arith.constant 0 : i32
    %dma_start3A_1282 = tpu.memref_slice %arg5[%add3A_1277, %dma_start3A_1281] : memref<16384x128xf32, #tpu.memory_space<hbm>> -> memref<32x128xf32, #tpu.memory_space<hbm>>
    %dma_start3A_1283 = arith.constant 0 : i32
    %dma_start3A_1284 = tpu.memref_slice %arg5[%add3A_1277, %dma_start3A_1283] : memref<16384x128xf32, #tpu.memory_space<hbm>> -> memref<32x128xf32, #tpu.memory_space<hbm>>
    %dma_start3A_1285 = arith.constant 288 : i32
    %dma_start3A_1286 = arith.constant 0 : i32
    %dma_start3A_1287 = tpu.memref_slice %arg10[%dma_start3A_1285, %dma_start3A_1286] : memref<512x128xf32, #tpu.memory_space<vmem>> -> memref<32x128xf32, #tpu.memory_space<vmem>>
    tpu.enqueue_dma source(%dma_start3A_1287 : memref<32x128xf32, #tpu.memory_space<vmem>>) target(%dma_start3A_1284 : memref<32x128xf32, #tpu.memory_space<hbm>>) target_semaphore(%arg12 : memref<!tpu.dma_semaphore, #tpu.memory_space<semaphore_mem>>)
    %dma_wait3A_1288 = arith.constant 10 : i32
    %dma_wait3A_1289 = arith.constant 320 : i32
    %dma_wait3A_1290 = arith.constant 0 : i32
    %dma_wait3A_1291 = tpu.memref_slice %arg10[%dma_wait3A_1289, %dma_wait3A_1290] : memref<512x128xf32, #tpu.memory_space<vmem>> -> memref<32x128xf32, #tpu.memory_space<vmem>>
    %dma_wait3A_1292 = arith.constant 0 : i32
    %dma_wait3A_1293 = tpu.memref_slice %arg8[%dma_wait3A_1288, %dma_wait3A_1292] : memref<16x32xi32, #tpu.memory_space<vmem>> -> memref<1x32xi32, #tpu.memory_space<vmem>>
    %dma_wait3A_1294 = tpu.memref_squeeze %dma_wait3A_1293 : memref<1x32xi32, #tpu.memory_space<vmem>> -> memref<32xi32, #tpu.memory_space<vmem>>
    %dma_wait3A_1295 = arith.constant 0 : i32
    %dma_wait3A_1296 = arith.constant 0 : i32
    %dma_wait3A_1297 = tpu.memref_slice %arg9[%dma_wait3A_1295, %dma_wait3A_1296] : memref<64x128xf32, #tpu.memory_space<vmem_shared>> -> memref<64x128xf32, #tpu.memory_space<vmem_shared>>
    tpu.wait_indirect_dma semaphore(%arg11 : memref<!tpu.dma_semaphore, #tpu.memory_space<semaphore_mem>>) src(%dma_wait3A_1297 : memref<64x128xf32, #tpu.memory_space<vmem_shared>>) dst(%dma_wait3A_1291 : memref<32x128xf32, #tpu.memory_space<vmem>>)
    %add3A_1298 = arith.constant 320 : i32
    %add3A_1299 = arith.addi %mul3A_2, %add3A_1298 : i32
    %dma_start3A_1300 = arith.constant 320 : i32
    %dma_start3A_1301 = arith.constant 0 : i32
    %dma_start3A_1302 = tpu.memref_slice %arg10[%dma_start3A_1300, %dma_start3A_1301] : memref<512x128xf32, #tpu.memory_space<vmem>> -> memref<32x128xf32, #tpu.memory_space<vmem>>
    %dma_start3A_1303 = arith.constant 0 : i32
    %dma_start3A_1304 = tpu.memref_slice %arg5[%add3A_1299, %dma_start3A_1303] : memref<16384x128xf32, #tpu.memory_space<hbm>> -> memref<32x128xf32, #tpu.memory_space<hbm>>
    %dma_start3A_1305 = arith.constant 0 : i32
    %dma_start3A_1306 = tpu.memref_slice %arg5[%add3A_1299, %dma_start3A_1305] : memref<16384x128xf32, #tpu.memory_space<hbm>> -> memref<32x128xf32, #tpu.memory_space<hbm>>
    %dma_start3A_1307 = arith.constant 320 : i32
    %dma_start3A_1308 = arith.constant 0 : i32
    %dma_start3A_1309 = tpu.memref_slice %arg10[%dma_start3A_1307, %dma_start3A_1308] : memref<512x128xf32, #tpu.memory_space<vmem>> -> memref<32x128xf32, #tpu.memory_space<vmem>>
    tpu.enqueue_dma source(%dma_start3A_1309 : memref<32x128xf32, #tpu.memory_space<vmem>>) target(%dma_start3A_1306 : memref<32x128xf32, #tpu.memory_space<hbm>>) target_semaphore(%arg12 : memref<!tpu.dma_semaphore, #tpu.memory_space<semaphore_mem>>)
    %dma_wait3A_1310 = arith.constant 11 : i32
    %dma_wait3A_1311 = arith.constant 352 : i32
    %dma_wait3A_1312 = arith.constant 0 : i32
    %dma_wait3A_1313 = tpu.memref_slice %arg10[%dma_wait3A_1311, %dma_wait3A_1312] : memref<512x128xf32, #tpu.memory_space<vmem>> -> memref<32x128xf32, #tpu.memory_space<vmem>>
    %dma_wait3A_1314 = arith.constant 0 : i32
    %dma_wait3A_1315 = tpu.memref_slice %arg8[%dma_wait3A_1310, %dma_wait3A_1314] : memref<16x32xi32, #tpu.memory_space<vmem>> -> memref<1x32xi32, #tpu.memory_space<vmem>>
    %dma_wait3A_1316 = tpu.memref_squeeze %dma_wait3A_1315 : memref<1x32xi32, #tpu.memory_space<vmem>> -> memref<32xi32, #tpu.memory_space<vmem>>
    %dma_wait3A_1317 = arith.constant 0 : i32
    %dma_wait3A_1318 = arith.constant 0 : i32
    %dma_wait3A_1319 = tpu.memref_slice %arg9[%dma_wait3A_1317, %dma_wait3A_1318] : memref<64x128xf32, #tpu.memory_space<vmem_shared>> -> memref<64x128xf32, #tpu.memory_space<vmem_shared>>
    tpu.wait_indirect_dma semaphore(%arg11 : memref<!tpu.dma_semaphore, #tpu.memory_space<semaphore_mem>>) src(%dma_wait3A_1319 : memref<64x128xf32, #tpu.memory_space<vmem_shared>>) dst(%dma_wait3A_1313 : memref<32x128xf32, #tpu.memory_space<vmem>>)
    %add3A_1320 = arith.constant 352 : i32
    %add3A_1321 = arith.addi %mul3A_2, %add3A_1320 : i32
    %dma_start3A_1322 = arith.constant 352 : i32
    %dma_start3A_1323 = arith.constant 0 : i32
    %dma_start3A_1324 = tpu.memref_slice %arg10[%dma_start3A_1322, %dma_start3A_1323] : memref<512x128xf32, #tpu.memory_space<vmem>> -> memref<32x128xf32, #tpu.memory_space<vmem>>
    %dma_start3A_1325 = arith.constant 0 : i32
    %dma_start3A_1326 = tpu.memref_slice %arg5[%add3A_1321, %dma_start3A_1325] : memref<16384x128xf32, #tpu.memory_space<hbm>> -> memref<32x128xf32, #tpu.memory_space<hbm>>
    %dma_start3A_1327 = arith.constant 0 : i32
    %dma_start3A_1328 = tpu.memref_slice %arg5[%add3A_1321, %dma_start3A_1327] : memref<16384x128xf32, #tpu.memory_space<hbm>> -> memref<32x128xf32, #tpu.memory_space<hbm>>
    %dma_start3A_1329 = arith.constant 352 : i32
    %dma_start3A_1330 = arith.constant 0 : i32
    %dma_start3A_1331 = tpu.memref_slice %arg10[%dma_start3A_1329, %dma_start3A_1330] : memref<512x128xf32, #tpu.memory_space<vmem>> -> memref<32x128xf32, #tpu.memory_space<vmem>>
    tpu.enqueue_dma source(%dma_start3A_1331 : memref<32x128xf32, #tpu.memory_space<vmem>>) target(%dma_start3A_1328 : memref<32x128xf32, #tpu.memory_space<hbm>>) target_semaphore(%arg12 : memref<!tpu.dma_semaphore, #tpu.memory_space<semaphore_mem>>)
    %dma_wait3A_1332 = arith.constant 12 : i32
    %dma_wait3A_1333 = arith.constant 384 : i32
    %dma_wait3A_1334 = arith.constant 0 : i32
    %dma_wait3A_1335 = tpu.memref_slice %arg10[%dma_wait3A_1333, %dma_wait3A_1334] : memref<512x128xf32, #tpu.memory_space<vmem>> -> memref<32x128xf32, #tpu.memory_space<vmem>>
    %dma_wait3A_1336 = arith.constant 0 : i32
    %dma_wait3A_1337 = tpu.memref_slice %arg8[%dma_wait3A_1332, %dma_wait3A_1336] : memref<16x32xi32, #tpu.memory_space<vmem>> -> memref<1x32xi32, #tpu.memory_space<vmem>>
    %dma_wait3A_1338 = tpu.memref_squeeze %dma_wait3A_1337 : memref<1x32xi32, #tpu.memory_space<vmem>> -> memref<32xi32, #tpu.memory_space<vmem>>
    %dma_wait3A_1339 = arith.constant 0 : i32
    %dma_wait3A_1340 = arith.constant 0 : i32
    %dma_wait3A_1341 = tpu.memref_slice %arg9[%dma_wait3A_1339, %dma_wait3A_1340] : memref<64x128xf32, #tpu.memory_space<vmem_shared>> -> memref<64x128xf32, #tpu.memory_space<vmem_shared>>
    tpu.wait_indirect_dma semaphore(%arg11 : memref<!tpu.dma_semaphore, #tpu.memory_space<semaphore_mem>>) src(%dma_wait3A_1341 : memref<64x128xf32, #tpu.memory_space<vmem_shared>>) dst(%dma_wait3A_1335 : memref<32x128xf32, #tpu.memory_space<vmem>>)
    %add3A_1342 = arith.constant 384 : i32
    %add3A_1343 = arith.addi %mul3A_2, %add3A_1342 : i32
    %dma_start3A_1344 = arith.constant 384 : i32
    %dma_start3A_1345 = arith.constant 0 : i32
    %dma_start3A_1346 = tpu.memref_slice %arg10[%dma_start3A_1344, %dma_start3A_1345] : memref<512x128xf32, #tpu.memory_space<vmem>> -> memref<32x128xf32, #tpu.memory_space<vmem>>
    %dma_start3A_1347 = arith.constant 0 : i32
    %dma_start3A_1348 = tpu.memref_slice %arg5[%add3A_1343, %dma_start3A_1347] : memref<16384x128xf32, #tpu.memory_space<hbm>> -> memref<32x128xf32, #tpu.memory_space<hbm>>
    %dma_start3A_1349 = arith.constant 0 : i32
    %dma_start3A_1350 = tpu.memref_slice %arg5[%add3A_1343, %dma_start3A_1349] : memref<16384x128xf32, #tpu.memory_space<hbm>> -> memref<32x128xf32, #tpu.memory_space<hbm>>
    %dma_start3A_1351 = arith.constant 384 : i32
    %dma_start3A_1352 = arith.constant 0 : i32
    %dma_start3A_1353 = tpu.memref_slice %arg10[%dma_start3A_1351, %dma_start3A_1352] : memref<512x128xf32, #tpu.memory_space<vmem>> -> memref<32x128xf32, #tpu.memory_space<vmem>>
    tpu.enqueue_dma source(%dma_start3A_1353 : memref<32x128xf32, #tpu.memory_space<vmem>>) target(%dma_start3A_1350 : memref<32x128xf32, #tpu.memory_space<hbm>>) target_semaphore(%arg12 : memref<!tpu.dma_semaphore, #tpu.memory_space<semaphore_mem>>)
    %dma_wait3A_1354 = arith.constant 13 : i32
    %dma_wait3A_1355 = arith.constant 416 : i32
    %dma_wait3A_1356 = arith.constant 0 : i32
    %dma_wait3A_1357 = tpu.memref_slice %arg10[%dma_wait3A_1355, %dma_wait3A_1356] : memref<512x128xf32, #tpu.memory_space<vmem>> -> memref<32x128xf32, #tpu.memory_space<vmem>>
    %dma_wait3A_1358 = arith.constant 0 : i32
    %dma_wait3A_1359 = tpu.memref_slice %arg8[%dma_wait3A_1354, %dma_wait3A_1358] : memref<16x32xi32, #tpu.memory_space<vmem>> -> memref<1x32xi32, #tpu.memory_space<vmem>>
    %dma_wait3A_1360 = tpu.memref_squeeze %dma_wait3A_1359 : memref<1x32xi32, #tpu.memory_space<vmem>> -> memref<32xi32, #tpu.memory_space<vmem>>
    %dma_wait3A_1361 = arith.constant 0 : i32
    %dma_wait3A_1362 = arith.constant 0 : i32
    %dma_wait3A_1363 = tpu.memref_slice %arg9[%dma_wait3A_1361, %dma_wait3A_1362] : memref<64x128xf32, #tpu.memory_space<vmem_shared>> -> memref<64x128xf32, #tpu.memory_space<vmem_shared>>
    tpu.wait_indirect_dma semaphore(%arg11 : memref<!tpu.dma_semaphore, #tpu.memory_space<semaphore_mem>>) src(%dma_wait3A_1363 : memref<64x128xf32, #tpu.memory_space<vmem_shared>>) dst(%dma_wait3A_1357 : memref<32x128xf32, #tpu.memory_space<vmem>>)
    %add3A_1364 = arith.constant 416 : i32
    %add3A_1365 = arith.addi %mul3A_2, %add3A_1364 : i32
    %dma_start3A_1366 = arith.constant 416 : i32
    %dma_start3A_1367 = arith.constant 0 : i32
    %dma_start3A_1368 = tpu.memref_slice %arg10[%dma_start3A_1366, %dma_start3A_1367] : memref<512x128xf32, #tpu.memory_space<vmem>> -> memref<32x128xf32, #tpu.memory_space<vmem>>
    %dma_start3A_1369 = arith.constant 0 : i32
    %dma_start3A_1370 = tpu.memref_slice %arg5[%add3A_1365, %dma_start3A_1369] : memref<16384x128xf32, #tpu.memory_space<hbm>> -> memref<32x128xf32, #tpu.memory_space<hbm>>
    %dma_start3A_1371 = arith.constant 0 : i32
    %dma_start3A_1372 = tpu.memref_slice %arg5[%add3A_1365, %dma_start3A_1371] : memref<16384x128xf32, #tpu.memory_space<hbm>> -> memref<32x128xf32, #tpu.memory_space<hbm>>
    %dma_start3A_1373 = arith.constant 416 : i32
    %dma_start3A_1374 = arith.constant 0 : i32
    %dma_start3A_1375 = tpu.memref_slice %arg10[%dma_start3A_1373, %dma_start3A_1374] : memref<512x128xf32, #tpu.memory_space<vmem>> -> memref<32x128xf32, #tpu.memory_space<vmem>>
    tpu.enqueue_dma source(%dma_start3A_1375 : memref<32x128xf32, #tpu.memory_space<vmem>>) target(%dma_start3A_1372 : memref<32x128xf32, #tpu.memory_space<hbm>>) target_semaphore(%arg12 : memref<!tpu.dma_semaphore, #tpu.memory_space<semaphore_mem>>)
    %dma_wait3A_1376 = arith.constant 14 : i32
    %dma_wait3A_1377 = arith.constant 448 : i32
    %dma_wait3A_1378 = arith.constant 0 : i32
    %dma_wait3A_1379 = tpu.memref_slice %arg10[%dma_wait3A_1377, %dma_wait3A_1378] : memref<512x128xf32, #tpu.memory_space<vmem>> -> memref<32x128xf32, #tpu.memory_space<vmem>>
    %dma_wait3A_1380 = arith.constant 0 : i32
    %dma_wait3A_1381 = tpu.memref_slice %arg8[%dma_wait3A_1376, %dma_wait3A_1380] : memref<16x32xi32, #tpu.memory_space<vmem>> -> memref<1x32xi32, #tpu.memory_space<vmem>>
    %dma_wait3A_1382 = tpu.memref_squeeze %dma_wait3A_1381 : memref<1x32xi32, #tpu.memory_space<vmem>> -> memref<32xi32, #tpu.memory_space<vmem>>
    %dma_wait3A_1383 = arith.constant 0 : i32
    %dma_wait3A_1384 = arith.constant 0 : i32
    %dma_wait3A_1385 = tpu.memref_slice %arg9[%dma_wait3A_1383, %dma_wait3A_1384] : memref<64x128xf32, #tpu.memory_space<vmem_shared>> -> memref<64x128xf32, #tpu.memory_space<vmem_shared>>
    tpu.wait_indirect_dma semaphore(%arg11 : memref<!tpu.dma_semaphore, #tpu.memory_space<semaphore_mem>>) src(%dma_wait3A_1385 : memref<64x128xf32, #tpu.memory_space<vmem_shared>>) dst(%dma_wait3A_1379 : memref<32x128xf32, #tpu.memory_space<vmem>>)
    %add3A_1386 = arith.constant 448 : i32
    %add3A_1387 = arith.addi %mul3A_2, %add3A_1386 : i32
    %dma_start3A_1388 = arith.constant 448 : i32
    %dma_start3A_1389 = arith.constant 0 : i32
    %dma_start3A_1390 = tpu.memref_slice %arg10[%dma_start3A_1388, %dma_start3A_1389] : memref<512x128xf32, #tpu.memory_space<vmem>> -> memref<32x128xf32, #tpu.memory_space<vmem>>
    %dma_start3A_1391 = arith.constant 0 : i32
    %dma_start3A_1392 = tpu.memref_slice %arg5[%add3A_1387, %dma_start3A_1391] : memref<16384x128xf32, #tpu.memory_space<hbm>> -> memref<32x128xf32, #tpu.memory_space<hbm>>
    %dma_start3A_1393 = arith.constant 0 : i32
    %dma_start3A_1394 = tpu.memref_slice %arg5[%add3A_1387, %dma_start3A_1393] : memref<16384x128xf32, #tpu.memory_space<hbm>> -> memref<32x128xf32, #tpu.memory_space<hbm>>
    %dma_start3A_1395 = arith.constant 448 : i32
    %dma_start3A_1396 = arith.constant 0 : i32
    %dma_start3A_1397 = tpu.memref_slice %arg10[%dma_start3A_1395, %dma_start3A_1396] : memref<512x128xf32, #tpu.memory_space<vmem>> -> memref<32x128xf32, #tpu.memory_space<vmem>>
    tpu.enqueue_dma source(%dma_start3A_1397 : memref<32x128xf32, #tpu.memory_space<vmem>>) target(%dma_start3A_1394 : memref<32x128xf32, #tpu.memory_space<hbm>>) target_semaphore(%arg12 : memref<!tpu.dma_semaphore, #tpu.memory_space<semaphore_mem>>)
    %dma_wait3A_1398 = arith.constant 15 : i32
    %dma_wait3A_1399 = arith.constant 480 : i32
    %dma_wait3A_1400 = arith.constant 0 : i32
    %dma_wait3A_1401 = tpu.memref_slice %arg10[%dma_wait3A_1399, %dma_wait3A_1400] : memref<512x128xf32, #tpu.memory_space<vmem>> -> memref<32x128xf32, #tpu.memory_space<vmem>>
    %dma_wait3A_1402 = arith.constant 0 : i32
    %dma_wait3A_1403 = tpu.memref_slice %arg8[%dma_wait3A_1398, %dma_wait3A_1402] : memref<16x32xi32, #tpu.memory_space<vmem>> -> memref<1x32xi32, #tpu.memory_space<vmem>>
    %dma_wait3A_1404 = tpu.memref_squeeze %dma_wait3A_1403 : memref<1x32xi32, #tpu.memory_space<vmem>> -> memref<32xi32, #tpu.memory_space<vmem>>
    %dma_wait3A_1405 = arith.constant 0 : i32
    %dma_wait3A_1406 = arith.constant 0 : i32
    %dma_wait3A_1407 = tpu.memref_slice %arg9[%dma_wait3A_1405, %dma_wait3A_1406] : memref<64x128xf32, #tpu.memory_space<vmem_shared>> -> memref<64x128xf32, #tpu.memory_space<vmem_shared>>
    tpu.wait_indirect_dma semaphore(%arg11 : memref<!tpu.dma_semaphore, #tpu.memory_space<semaphore_mem>>) src(%dma_wait3A_1407 : memref<64x128xf32, #tpu.memory_space<vmem_shared>>) dst(%dma_wait3A_1401 : memref<32x128xf32, #tpu.memory_space<vmem>>)
    %add3A_1408 = arith.constant 480 : i32
    %add3A_1409 = arith.addi %mul3A_2, %add3A_1408 : i32
    %dma_start3A_1410 = arith.constant 480 : i32
    %dma_start3A_1411 = arith.constant 0 : i32
    %dma_start3A_1412 = tpu.memref_slice %arg10[%dma_start3A_1410, %dma_start3A_1411] : memref<512x128xf32, #tpu.memory_space<vmem>> -> memref<32x128xf32, #tpu.memory_space<vmem>>
    %dma_start3A_1413 = arith.constant 0 : i32
    %dma_start3A_1414 = tpu.memref_slice %arg5[%add3A_1409, %dma_start3A_1413] : memref<16384x128xf32, #tpu.memory_space<hbm>> -> memref<32x128xf32, #tpu.memory_space<hbm>>
    %dma_start3A_1415 = arith.constant 0 : i32
    %dma_start3A_1416 = tpu.memref_slice %arg5[%add3A_1409, %dma_start3A_1415] : memref<16384x128xf32, #tpu.memory_space<hbm>> -> memref<32x128xf32, #tpu.memory_space<hbm>>
    %dma_start3A_1417 = arith.constant 480 : i32
    %dma_start3A_1418 = arith.constant 0 : i32
    %dma_start3A_1419 = tpu.memref_slice %arg10[%dma_start3A_1417, %dma_start3A_1418] : memref<512x128xf32, #tpu.memory_space<vmem>> -> memref<32x128xf32, #tpu.memory_space<vmem>>
    tpu.enqueue_dma source(%dma_start3A_1419 : memref<32x128xf32, #tpu.memory_space<vmem>>) target(%dma_start3A_1416 : memref<32x128xf32, #tpu.memory_space<hbm>>) target_semaphore(%arg12 : memref<!tpu.dma_semaphore, #tpu.memory_space<semaphore_mem>>)
    %dma_wait3A_1420 = arith.constant 0 : i32
    %dma_wait3A_1421 = arith.constant 0 : i32
    %dma_wait3A_1422 = tpu.memref_slice %arg10[%dma_wait3A_1420, %dma_wait3A_1421] : memref<512x128xf32, #tpu.memory_space<vmem>> -> memref<32x128xf32, #tpu.memory_space<vmem>>
    %dma_wait3A_1423 = arith.constant 0 : i32
    %dma_wait3A_1424 = tpu.memref_slice %arg5[%add3A_1079, %dma_wait3A_1423] : memref<16384x128xf32, #tpu.memory_space<hbm>> -> memref<32x128xf32, #tpu.memory_space<hbm>>
    %dma_wait3A_1425 = arith.constant 0 : i32
    %dma_wait3A_1426 = tpu.memref_slice %arg5[%add3A_1079, %dma_wait3A_1425] : memref<16384x128xf32, #tpu.memory_space<hbm>> -> memref<32x128xf32, #tpu.memory_space<hbm>>
    %dma_wait3A_1427 = arith.constant 0 : i32
    %dma_wait3A_1428 = arith.constant 0 : i32
    %dma_wait3A_1429 = tpu.memref_slice %arg10[%dma_wait3A_1427, %dma_wait3A_1428] : memref<512x128xf32, #tpu.memory_space<vmem>> -> memref<32x128xf32, #tpu.memory_space<vmem>>
    tpu.wait_dma2 semaphore(%arg12 : memref<!tpu.dma_semaphore, #tpu.memory_space<semaphore_mem>>) src(%dma_wait3A_1429 : memref<32x128xf32, #tpu.memory_space<vmem>>) dst(%dma_wait3A_1426 : memref<32x128xf32, #tpu.memory_space<hbm>>)
    %dma_wait3A_1430 = arith.constant 32 : i32
    %dma_wait3A_1431 = arith.constant 0 : i32
    %dma_wait3A_1432 = tpu.memref_slice %arg10[%dma_wait3A_1430, %dma_wait3A_1431] : memref<512x128xf32, #tpu.memory_space<vmem>> -> memref<32x128xf32, #tpu.memory_space<vmem>>
    %dma_wait3A_1433 = arith.constant 0 : i32
    %dma_wait3A_1434 = tpu.memref_slice %arg5[%add3A_1101, %dma_wait3A_1433] : memref<16384x128xf32, #tpu.memory_space<hbm>> -> memref<32x128xf32, #tpu.memory_space<hbm>>
    %dma_wait3A_1435 = arith.constant 0 : i32
    %dma_wait3A_1436 = tpu.memref_slice %arg5[%add3A_1101, %dma_wait3A_1435] : memref<16384x128xf32, #tpu.memory_space<hbm>> -> memref<32x128xf32, #tpu.memory_space<hbm>>
    %dma_wait3A_1437 = arith.constant 32 : i32
    %dma_wait3A_1438 = arith.constant 0 : i32
    %dma_wait3A_1439 = tpu.memref_slice %arg10[%dma_wait3A_1437, %dma_wait3A_1438] : memref<512x128xf32, #tpu.memory_space<vmem>> -> memref<32x128xf32, #tpu.memory_space<vmem>>
    tpu.wait_dma2 semaphore(%arg12 : memref<!tpu.dma_semaphore, #tpu.memory_space<semaphore_mem>>) src(%dma_wait3A_1439 : memref<32x128xf32, #tpu.memory_space<vmem>>) dst(%dma_wait3A_1436 : memref<32x128xf32, #tpu.memory_space<hbm>>)
    %dma_wait3A_1440 = arith.constant 64 : i32
    %dma_wait3A_1441 = arith.constant 0 : i32
    %dma_wait3A_1442 = tpu.memref_slice %arg10[%dma_wait3A_1440, %dma_wait3A_1441] : memref<512x128xf32, #tpu.memory_space<vmem>> -> memref<32x128xf32, #tpu.memory_space<vmem>>
    %dma_wait3A_1443 = arith.constant 0 : i32
    %dma_wait3A_1444 = tpu.memref_slice %arg5[%add3A_1123, %dma_wait3A_1443] : memref<16384x128xf32, #tpu.memory_space<hbm>> -> memref<32x128xf32, #tpu.memory_space<hbm>>
    %dma_wait3A_1445 = arith.constant 0 : i32
    %dma_wait3A_1446 = tpu.memref_slice %arg5[%add3A_1123, %dma_wait3A_1445] : memref<16384x128xf32, #tpu.memory_space<hbm>> -> memref<32x128xf32, #tpu.memory_space<hbm>>
    %dma_wait3A_1447 = arith.constant 64 : i32
    %dma_wait3A_1448 = arith.constant 0 : i32
    %dma_wait3A_1449 = tpu.memref_slice %arg10[%dma_wait3A_1447, %dma_wait3A_1448] : memref<512x128xf32, #tpu.memory_space<vmem>> -> memref<32x128xf32, #tpu.memory_space<vmem>>
    tpu.wait_dma2 semaphore(%arg12 : memref<!tpu.dma_semaphore, #tpu.memory_space<semaphore_mem>>) src(%dma_wait3A_1449 : memref<32x128xf32, #tpu.memory_space<vmem>>) dst(%dma_wait3A_1446 : memref<32x128xf32, #tpu.memory_space<hbm>>)
    %dma_wait3A_1450 = arith.constant 96 : i32
    %dma_wait3A_1451 = arith.constant 0 : i32
    %dma_wait3A_1452 = tpu.memref_slice %arg10[%dma_wait3A_1450, %dma_wait3A_1451] : memref<512x128xf32, #tpu.memory_space<vmem>> -> memref<32x128xf32, #tpu.memory_space<vmem>>
    %dma_wait3A_1453 = arith.constant 0 : i32
    %dma_wait3A_1454 = tpu.memref_slice %arg5[%add3A_1145, %dma_wait3A_1453] : memref<16384x128xf32, #tpu.memory_space<hbm>> -> memref<32x128xf32, #tpu.memory_space<hbm>>
    %dma_wait3A_1455 = arith.constant 0 : i32
    %dma_wait3A_1456 = tpu.memref_slice %arg5[%add3A_1145, %dma_wait3A_1455] : memref<16384x128xf32, #tpu.memory_space<hbm>> -> memref<32x128xf32, #tpu.memory_space<hbm>>
    %dma_wait3A_1457 = arith.constant 96 : i32
    %dma_wait3A_1458 = arith.constant 0 : i32
    %dma_wait3A_1459 = tpu.memref_slice %arg10[%dma_wait3A_1457, %dma_wait3A_1458] : memref<512x128xf32, #tpu.memory_space<vmem>> -> memref<32x128xf32, #tpu.memory_space<vmem>>
    tpu.wait_dma2 semaphore(%arg12 : memref<!tpu.dma_semaphore, #tpu.memory_space<semaphore_mem>>) src(%dma_wait3A_1459 : memref<32x128xf32, #tpu.memory_space<vmem>>) dst(%dma_wait3A_1456 : memref<32x128xf32, #tpu.memory_space<hbm>>)
    %dma_wait3A_1460 = arith.constant 128 : i32
    %dma_wait3A_1461 = arith.constant 0 : i32
    %dma_wait3A_1462 = tpu.memref_slice %arg10[%dma_wait3A_1460, %dma_wait3A_1461] : memref<512x128xf32, #tpu.memory_space<vmem>> -> memref<32x128xf32, #tpu.memory_space<vmem>>
    %dma_wait3A_1463 = arith.constant 0 : i32
    %dma_wait3A_1464 = tpu.memref_slice %arg5[%add3A_1167, %dma_wait3A_1463] : memref<16384x128xf32, #tpu.memory_space<hbm>> -> memref<32x128xf32, #tpu.memory_space<hbm>>
    %dma_wait3A_1465 = arith.constant 0 : i32
    %dma_wait3A_1466 = tpu.memref_slice %arg5[%add3A_1167, %dma_wait3A_1465] : memref<16384x128xf32, #tpu.memory_space<hbm>> -> memref<32x128xf32, #tpu.memory_space<hbm>>
    %dma_wait3A_1467 = arith.constant 128 : i32
    %dma_wait3A_1468 = arith.constant 0 : i32
    %dma_wait3A_1469 = tpu.memref_slice %arg10[%dma_wait3A_1467, %dma_wait3A_1468] : memref<512x128xf32, #tpu.memory_space<vmem>> -> memref<32x128xf32, #tpu.memory_space<vmem>>
    tpu.wait_dma2 semaphore(%arg12 : memref<!tpu.dma_semaphore, #tpu.memory_space<semaphore_mem>>) src(%dma_wait3A_1469 : memref<32x128xf32, #tpu.memory_space<vmem>>) dst(%dma_wait3A_1466 : memref<32x128xf32, #tpu.memory_space<hbm>>)
    %dma_wait3A_1470 = arith.constant 160 : i32
    %dma_wait3A_1471 = arith.constant 0 : i32
    %dma_wait3A_1472 = tpu.memref_slice %arg10[%dma_wait3A_1470, %dma_wait3A_1471] : memref<512x128xf32, #tpu.memory_space<vmem>> -> memref<32x128xf32, #tpu.memory_space<vmem>>
    %dma_wait3A_1473 = arith.constant 0 : i32
    %dma_wait3A_1474 = tpu.memref_slice %arg5[%add3A_1189, %dma_wait3A_1473] : memref<16384x128xf32, #tpu.memory_space<hbm>> -> memref<32x128xf32, #tpu.memory_space<hbm>>
    %dma_wait3A_1475 = arith.constant 0 : i32
    %dma_wait3A_1476 = tpu.memref_slice %arg5[%add3A_1189, %dma_wait3A_1475] : memref<16384x128xf32, #tpu.memory_space<hbm>> -> memref<32x128xf32, #tpu.memory_space<hbm>>
    %dma_wait3A_1477 = arith.constant 160 : i32
    %dma_wait3A_1478 = arith.constant 0 : i32
    %dma_wait3A_1479 = tpu.memref_slice %arg10[%dma_wait3A_1477, %dma_wait3A_1478] : memref<512x128xf32, #tpu.memory_space<vmem>> -> memref<32x128xf32, #tpu.memory_space<vmem>>
    tpu.wait_dma2 semaphore(%arg12 : memref<!tpu.dma_semaphore, #tpu.memory_space<semaphore_mem>>) src(%dma_wait3A_1479 : memref<32x128xf32, #tpu.memory_space<vmem>>) dst(%dma_wait3A_1476 : memref<32x128xf32, #tpu.memory_space<hbm>>)
    %dma_wait3A_1480 = arith.constant 192 : i32
    %dma_wait3A_1481 = arith.constant 0 : i32
    %dma_wait3A_1482 = tpu.memref_slice %arg10[%dma_wait3A_1480, %dma_wait3A_1481] : memref<512x128xf32, #tpu.memory_space<vmem>> -> memref<32x128xf32, #tpu.memory_space<vmem>>
    %dma_wait3A_1483 = arith.constant 0 : i32
    %dma_wait3A_1484 = tpu.memref_slice %arg5[%add3A_1211, %dma_wait3A_1483] : memref<16384x128xf32, #tpu.memory_space<hbm>> -> memref<32x128xf32, #tpu.memory_space<hbm>>
    %dma_wait3A_1485 = arith.constant 0 : i32
    %dma_wait3A_1486 = tpu.memref_slice %arg5[%add3A_1211, %dma_wait3A_1485] : memref<16384x128xf32, #tpu.memory_space<hbm>> -> memref<32x128xf32, #tpu.memory_space<hbm>>
    %dma_wait3A_1487 = arith.constant 192 : i32
    %dma_wait3A_1488 = arith.constant 0 : i32
    %dma_wait3A_1489 = tpu.memref_slice %arg10[%dma_wait3A_1487, %dma_wait3A_1488] : memref<512x128xf32, #tpu.memory_space<vmem>> -> memref<32x128xf32, #tpu.memory_space<vmem>>
    tpu.wait_dma2 semaphore(%arg12 : memref<!tpu.dma_semaphore, #tpu.memory_space<semaphore_mem>>) src(%dma_wait3A_1489 : memref<32x128xf32, #tpu.memory_space<vmem>>) dst(%dma_wait3A_1486 : memref<32x128xf32, #tpu.memory_space<hbm>>)
    %dma_wait3A_1490 = arith.constant 224 : i32
    %dma_wait3A_1491 = arith.constant 0 : i32
    %dma_wait3A_1492 = tpu.memref_slice %arg10[%dma_wait3A_1490, %dma_wait3A_1491] : memref<512x128xf32, #tpu.memory_space<vmem>> -> memref<32x128xf32, #tpu.memory_space<vmem>>
    %dma_wait3A_1493 = arith.constant 0 : i32
    %dma_wait3A_1494 = tpu.memref_slice %arg5[%add3A_1233, %dma_wait3A_1493] : memref<16384x128xf32, #tpu.memory_space<hbm>> -> memref<32x128xf32, #tpu.memory_space<hbm>>
    %dma_wait3A_1495 = arith.constant 0 : i32
    %dma_wait3A_1496 = tpu.memref_slice %arg5[%add3A_1233, %dma_wait3A_1495] : memref<16384x128xf32, #tpu.memory_space<hbm>> -> memref<32x128xf32, #tpu.memory_space<hbm>>
    %dma_wait3A_1497 = arith.constant 224 : i32
    %dma_wait3A_1498 = arith.constant 0 : i32
    %dma_wait3A_1499 = tpu.memref_slice %arg10[%dma_wait3A_1497, %dma_wait3A_1498] : memref<512x128xf32, #tpu.memory_space<vmem>> -> memref<32x128xf32, #tpu.memory_space<vmem>>
    tpu.wait_dma2 semaphore(%arg12 : memref<!tpu.dma_semaphore, #tpu.memory_space<semaphore_mem>>) src(%dma_wait3A_1499 : memref<32x128xf32, #tpu.memory_space<vmem>>) dst(%dma_wait3A_1496 : memref<32x128xf32, #tpu.memory_space<hbm>>)
    %dma_wait3A_1500 = arith.constant 256 : i32
    %dma_wait3A_1501 = arith.constant 0 : i32
    %dma_wait3A_1502 = tpu.memref_slice %arg10[%dma_wait3A_1500, %dma_wait3A_1501] : memref<512x128xf32, #tpu.memory_space<vmem>> -> memref<32x128xf32, #tpu.memory_space<vmem>>
    %dma_wait3A_1503 = arith.constant 0 : i32
    %dma_wait3A_1504 = tpu.memref_slice %arg5[%add3A_1255, %dma_wait3A_1503] : memref<16384x128xf32, #tpu.memory_space<hbm>> -> memref<32x128xf32, #tpu.memory_space<hbm>>
    %dma_wait3A_1505 = arith.constant 0 : i32
    %dma_wait3A_1506 = tpu.memref_slice %arg5[%add3A_1255, %dma_wait3A_1505] : memref<16384x128xf32, #tpu.memory_space<hbm>> -> memref<32x128xf32, #tpu.memory_space<hbm>>
    %dma_wait3A_1507 = arith.constant 256 : i32
    %dma_wait3A_1508 = arith.constant 0 : i32
    %dma_wait3A_1509 = tpu.memref_slice %arg10[%dma_wait3A_1507, %dma_wait3A_1508] : memref<512x128xf32, #tpu.memory_space<vmem>> -> memref<32x128xf32, #tpu.memory_space<vmem>>
    tpu.wait_dma2 semaphore(%arg12 : memref<!tpu.dma_semaphore, #tpu.memory_space<semaphore_mem>>) src(%dma_wait3A_1509 : memref<32x128xf32, #tpu.memory_space<vmem>>) dst(%dma_wait3A_1506 : memref<32x128xf32, #tpu.memory_space<hbm>>)
    %dma_wait3A_1510 = arith.constant 288 : i32
    %dma_wait3A_1511 = arith.constant 0 : i32
    %dma_wait3A_1512 = tpu.memref_slice %arg10[%dma_wait3A_1510, %dma_wait3A_1511] : memref<512x128xf32, #tpu.memory_space<vmem>> -> memref<32x128xf32, #tpu.memory_space<vmem>>
    %dma_wait3A_1513 = arith.constant 0 : i32
    %dma_wait3A_1514 = tpu.memref_slice %arg5[%add3A_1277, %dma_wait3A_1513] : memref<16384x128xf32, #tpu.memory_space<hbm>> -> memref<32x128xf32, #tpu.memory_space<hbm>>
    %dma_wait3A_1515 = arith.constant 0 : i32
    %dma_wait3A_1516 = tpu.memref_slice %arg5[%add3A_1277, %dma_wait3A_1515] : memref<16384x128xf32, #tpu.memory_space<hbm>> -> memref<32x128xf32, #tpu.memory_space<hbm>>
    %dma_wait3A_1517 = arith.constant 288 : i32
    %dma_wait3A_1518 = arith.constant 0 : i32
    %dma_wait3A_1519 = tpu.memref_slice %arg10[%dma_wait3A_1517, %dma_wait3A_1518] : memref<512x128xf32, #tpu.memory_space<vmem>> -> memref<32x128xf32, #tpu.memory_space<vmem>>
    tpu.wait_dma2 semaphore(%arg12 : memref<!tpu.dma_semaphore, #tpu.memory_space<semaphore_mem>>) src(%dma_wait3A_1519 : memref<32x128xf32, #tpu.memory_space<vmem>>) dst(%dma_wait3A_1516 : memref<32x128xf32, #tpu.memory_space<hbm>>)
    %dma_wait3A_1520 = arith.constant 320 : i32
    %dma_wait3A_1521 = arith.constant 0 : i32
    %dma_wait3A_1522 = tpu.memref_slice %arg10[%dma_wait3A_1520, %dma_wait3A_1521] : memref<512x128xf32, #tpu.memory_space<vmem>> -> memref<32x128xf32, #tpu.memory_space<vmem>>
    %dma_wait3A_1523 = arith.constant 0 : i32
    %dma_wait3A_1524 = tpu.memref_slice %arg5[%add3A_1299, %dma_wait3A_1523] : memref<16384x128xf32, #tpu.memory_space<hbm>> -> memref<32x128xf32, #tpu.memory_space<hbm>>
    %dma_wait3A_1525 = arith.constant 0 : i32
    %dma_wait3A_1526 = tpu.memref_slice %arg5[%add3A_1299, %dma_wait3A_1525] : memref<16384x128xf32, #tpu.memory_space<hbm>> -> memref<32x128xf32, #tpu.memory_space<hbm>>
    %dma_wait3A_1527 = arith.constant 320 : i32
    %dma_wait3A_1528 = arith.constant 0 : i32
    %dma_wait3A_1529 = tpu.memref_slice %arg10[%dma_wait3A_1527, %dma_wait3A_1528] : memref<512x128xf32, #tpu.memory_space<vmem>> -> memref<32x128xf32, #tpu.memory_space<vmem>>
    tpu.wait_dma2 semaphore(%arg12 : memref<!tpu.dma_semaphore, #tpu.memory_space<semaphore_mem>>) src(%dma_wait3A_1529 : memref<32x128xf32, #tpu.memory_space<vmem>>) dst(%dma_wait3A_1526 : memref<32x128xf32, #tpu.memory_space<hbm>>)
    %dma_wait3A_1530 = arith.constant 352 : i32
    %dma_wait3A_1531 = arith.constant 0 : i32
    %dma_wait3A_1532 = tpu.memref_slice %arg10[%dma_wait3A_1530, %dma_wait3A_1531] : memref<512x128xf32, #tpu.memory_space<vmem>> -> memref<32x128xf32, #tpu.memory_space<vmem>>
    %dma_wait3A_1533 = arith.constant 0 : i32
    %dma_wait3A_1534 = tpu.memref_slice %arg5[%add3A_1321, %dma_wait3A_1533] : memref<16384x128xf32, #tpu.memory_space<hbm>> -> memref<32x128xf32, #tpu.memory_space<hbm>>
    %dma_wait3A_1535 = arith.constant 0 : i32
    %dma_wait3A_1536 = tpu.memref_slice %arg5[%add3A_1321, %dma_wait3A_1535] : memref<16384x128xf32, #tpu.memory_space<hbm>> -> memref<32x128xf32, #tpu.memory_space<hbm>>
    %dma_wait3A_1537 = arith.constant 352 : i32
    %dma_wait3A_1538 = arith.constant 0 : i32
    %dma_wait3A_1539 = tpu.memref_slice %arg10[%dma_wait3A_1537, %dma_wait3A_1538] : memref<512x128xf32, #tpu.memory_space<vmem>> -> memref<32x128xf32, #tpu.memory_space<vmem>>
    tpu.wait_dma2 semaphore(%arg12 : memref<!tpu.dma_semaphore, #tpu.memory_space<semaphore_mem>>) src(%dma_wait3A_1539 : memref<32x128xf32, #tpu.memory_space<vmem>>) dst(%dma_wait3A_1536 : memref<32x128xf32, #tpu.memory_space<hbm>>)
    %dma_wait3A_1540 = arith.constant 384 : i32
    %dma_wait3A_1541 = arith.constant 0 : i32
    %dma_wait3A_1542 = tpu.memref_slice %arg10[%dma_wait3A_1540, %dma_wait3A_1541] : memref<512x128xf32, #tpu.memory_space<vmem>> -> memref<32x128xf32, #tpu.memory_space<vmem>>
    %dma_wait3A_1543 = arith.constant 0 : i32
    %dma_wait3A_1544 = tpu.memref_slice %arg5[%add3A_1343, %dma_wait3A_1543] : memref<16384x128xf32, #tpu.memory_space<hbm>> -> memref<32x128xf32, #tpu.memory_space<hbm>>
    %dma_wait3A_1545 = arith.constant 0 : i32
    %dma_wait3A_1546 = tpu.memref_slice %arg5[%add3A_1343, %dma_wait3A_1545] : memref<16384x128xf32, #tpu.memory_space<hbm>> -> memref<32x128xf32, #tpu.memory_space<hbm>>
    %dma_wait3A_1547 = arith.constant 384 : i32
    %dma_wait3A_1548 = arith.constant 0 : i32
    %dma_wait3A_1549 = tpu.memref_slice %arg10[%dma_wait3A_1547, %dma_wait3A_1548] : memref<512x128xf32, #tpu.memory_space<vmem>> -> memref<32x128xf32, #tpu.memory_space<vmem>>
    tpu.wait_dma2 semaphore(%arg12 : memref<!tpu.dma_semaphore, #tpu.memory_space<semaphore_mem>>) src(%dma_wait3A_1549 : memref<32x128xf32, #tpu.memory_space<vmem>>) dst(%dma_wait3A_1546 : memref<32x128xf32, #tpu.memory_space<hbm>>)
    %dma_wait3A_1550 = arith.constant 416 : i32
    %dma_wait3A_1551 = arith.constant 0 : i32
    %dma_wait3A_1552 = tpu.memref_slice %arg10[%dma_wait3A_1550, %dma_wait3A_1551] : memref<512x128xf32, #tpu.memory_space<vmem>> -> memref<32x128xf32, #tpu.memory_space<vmem>>
    %dma_wait3A_1553 = arith.constant 0 : i32
    %dma_wait3A_1554 = tpu.memref_slice %arg5[%add3A_1365, %dma_wait3A_1553] : memref<16384x128xf32, #tpu.memory_space<hbm>> -> memref<32x128xf32, #tpu.memory_space<hbm>>
    %dma_wait3A_1555 = arith.constant 0 : i32
    %dma_wait3A_1556 = tpu.memref_slice %arg5[%add3A_1365, %dma_wait3A_1555] : memref<16384x128xf32, #tpu.memory_space<hbm>> -> memref<32x128xf32, #tpu.memory_space<hbm>>
    %dma_wait3A_1557 = arith.constant 416 : i32
    %dma_wait3A_1558 = arith.constant 0 : i32
    %dma_wait3A_1559 = tpu.memref_slice %arg10[%dma_wait3A_1557, %dma_wait3A_1558] : memref<512x128xf32, #tpu.memory_space<vmem>> -> memref<32x128xf32, #tpu.memory_space<vmem>>
    tpu.wait_dma2 semaphore(%arg12 : memref<!tpu.dma_semaphore, #tpu.memory_space<semaphore_mem>>) src(%dma_wait3A_1559 : memref<32x128xf32, #tpu.memory_space<vmem>>) dst(%dma_wait3A_1556 : memref<32x128xf32, #tpu.memory_space<hbm>>)
    %dma_wait3A_1560 = arith.constant 448 : i32
    %dma_wait3A_1561 = arith.constant 0 : i32
    %dma_wait3A_1562 = tpu.memref_slice %arg10[%dma_wait3A_1560, %dma_wait3A_1561] : memref<512x128xf32, #tpu.memory_space<vmem>> -> memref<32x128xf32, #tpu.memory_space<vmem>>
    %dma_wait3A_1563 = arith.constant 0 : i32
    %dma_wait3A_1564 = tpu.memref_slice %arg5[%add3A_1387, %dma_wait3A_1563] : memref<16384x128xf32, #tpu.memory_space<hbm>> -> memref<32x128xf32, #tpu.memory_space<hbm>>
    %dma_wait3A_1565 = arith.constant 0 : i32
    %dma_wait3A_1566 = tpu.memref_slice %arg5[%add3A_1387, %dma_wait3A_1565] : memref<16384x128xf32, #tpu.memory_space<hbm>> -> memref<32x128xf32, #tpu.memory_space<hbm>>
    %dma_wait3A_1567 = arith.constant 448 : i32
    %dma_wait3A_1568 = arith.constant 0 : i32
    %dma_wait3A_1569 = tpu.memref_slice %arg10[%dma_wait3A_1567, %dma_wait3A_1568] : memref<512x128xf32, #tpu.memory_space<vmem>> -> memref<32x128xf32, #tpu.memory_space<vmem>>
    tpu.wait_dma2 semaphore(%arg12 : memref<!tpu.dma_semaphore, #tpu.memory_space<semaphore_mem>>) src(%dma_wait3A_1569 : memref<32x128xf32, #tpu.memory_space<vmem>>) dst(%dma_wait3A_1566 : memref<32x128xf32, #tpu.memory_space<hbm>>)
    %dma_wait3A_1570 = arith.constant 480 : i32
    %dma_wait3A_1571 = arith.constant 0 : i32
    %dma_wait3A_1572 = tpu.memref_slice %arg10[%dma_wait3A_1570, %dma_wait3A_1571] : memref<512x128xf32, #tpu.memory_space<vmem>> -> memref<32x128xf32, #tpu.memory_space<vmem>>
    %dma_wait3A_1573 = arith.constant 0 : i32
    %dma_wait3A_1574 = tpu.memref_slice %arg5[%add3A_1409, %dma_wait3A_1573] : memref<16384x128xf32, #tpu.memory_space<hbm>> -> memref<32x128xf32, #tpu.memory_space<hbm>>
    %dma_wait3A_1575 = arith.constant 0 : i32
    %dma_wait3A_1576 = tpu.memref_slice %arg5[%add3A_1409, %dma_wait3A_1575] : memref<16384x128xf32, #tpu.memory_space<hbm>> -> memref<32x128xf32, #tpu.memory_space<hbm>>
    %dma_wait3A_1577 = arith.constant 480 : i32
    %dma_wait3A_1578 = arith.constant 0 : i32
    %dma_wait3A_1579 = tpu.memref_slice %arg10[%dma_wait3A_1577, %dma_wait3A_1578] : memref<512x128xf32, #tpu.memory_space<vmem>> -> memref<32x128xf32, #tpu.memory_space<vmem>>
    tpu.wait_dma2 semaphore(%arg12 : memref<!tpu.dma_semaphore, #tpu.memory_space<semaphore_mem>>) src(%dma_wait3A_1579 : memref<32x128xf32, #tpu.memory_space<vmem>>) dst(%dma_wait3A_1576 : memref<32x128xf32, #tpu.memory_space<hbm>>)
    return
  }
}

module attributes {stable_mosaic.version = 14 : i64} {
  func.func @_combo_body(%arg0: memref<10x32xf32, #tpu.memory_space<vmem>>, %arg1: memref<5x32xf32, #tpu.memory_space<vmem>>, %arg2: memref<64x128xf32, #tpu.memory_space<vmem>>, %arg3: memref<1x128xf32, #tpu.memory_space<vmem>>, %arg4: memref<1x128xf32, #tpu.memory_space<vmem>>, %arg5: memref<1x128xf32, #tpu.memory_space<vmem>>, %arg6: memref<64x128xf32, #tpu.memory_space<vmem>>) attributes {dimension_semantics = [], scalar_prefetch = 0 : i64, scratch_operands = 0 : i64, tpu.core_type = #tpu.core_type<tc>} {
    %get3A = arith.constant 0 : index
    %get3A_0 = arith.constant 0 : index
    %get3A_1 = vector.load %arg0[%get3A, %get3A_0] : memref<10x32xf32, #tpu.memory_space<vmem>>, vector<10x32xf32>
    %get3A_2 = arith.constant 0 : index
    %get3A_3 = arith.constant 0 : index
    %get3A_4 = vector.load %arg2[%get3A_2, %get3A_3] : memref<64x128xf32, #tpu.memory_space<vmem>>, vector<32x128xf32>
    %dot_general3A = arith.constant dense<0.000000e+00> : vector<10x128xf32>
    %dot_general3A_5 = tpu.matmul %get3A_1, %get3A_4, %dot_general3A {dimension_numbers = #tpu.dot_dimension_numbers<[1], [0], [0], [1], [0, 0, 1, 1], [], []>, transpose_lhs_hint = false} : vector<10x32xf32>, vector<32x128xf32>, vector<10x128xf32> -> vector<10x128xf32>
    %get3A_6 = arith.constant 0 : index
    %get3A_7 = arith.constant 0 : index
    %get3A_8 = vector.load %arg1[%get3A_6, %get3A_7] : memref<5x32xf32, #tpu.memory_space<vmem>>, vector<5x32xf32>
    %get3A_9 = arith.constant 32 : index
    %get3A_10 = arith.constant 0 : index
    %get3A_11 = vector.load %arg2[%get3A_9, %get3A_10] : memref<64x128xf32, #tpu.memory_space<vmem>>, vector<32x128xf32>
    %dot_general3A_12 = arith.constant dense<0.000000e+00> : vector<5x128xf32>
    %dot_general3A_13 = tpu.matmul %get3A_8, %get3A_11, %dot_general3A_12 {dimension_numbers = #tpu.dot_dimension_numbers<[1], [0], [0], [1], [0, 0, 1, 1], [], []>, transpose_lhs_hint = false} : vector<5x32xf32>, vector<32x128xf32>, vector<5x128xf32> -> vector<5x128xf32>
    %iota3A = tpu.iota {dimensions = array<i32: 0>} : vector<64x10xi32>
    %iota3A_14 = tpu.iota {dimensions = array<i32: 1>} : vector<64x10xi32>
    %jit3A = arith.constant 5 : i32
    %div3A = vector.broadcast %jit3A : i32 to vector<64x10xi32>
    %div3A_15 = arith.divsi %iota3A, %div3A : vector<64x10xi32>
    %sign3A = arith.constant 0 : i32
    %sign3A_16 = vector.broadcast %sign3A : i32 to vector<64x10xi32>
    %sign3A_17 = arith.cmpi sgt, %iota3A, %sign3A_16 : vector<64x10xi32>
    %sign3A_18 = arith.extui %sign3A_17 : vector<64x10xi1> to vector<64x10xi32>
    %sign3A_19 = arith.constant 0 : i32
    %sign3A_20 = vector.broadcast %sign3A_19 : i32 to vector<64x10xi32>
    %sign3A_21 = arith.cmpi slt, %iota3A, %sign3A_20 : vector<64x10xi32>
    %sign3A_22 = arith.extui %sign3A_21 : vector<64x10xi1> to vector<64x10xi32>
    %sign3A_23 = arith.subi %sign3A_18, %sign3A_22 : vector<64x10xi32>
    %sign3A_24 = arith.constant 0 : i32
    %sign3A_25 = arith.cmpi sgt, %jit3A, %sign3A_24 : i32
    %sign3A_26 = arith.extui %sign3A_25 : i1 to i32
    %sign3A_27 = arith.constant 0 : i32
    %sign3A_28 = arith.cmpi slt, %jit3A, %sign3A_27 : i32
    %sign3A_29 = arith.extui %sign3A_28 : i1 to i32
    %sign3A_30 = arith.subi %sign3A_26, %sign3A_29 : i32
    %ne3A = vector.broadcast %sign3A_30 : i32 to vector<64x10xi32>
    %ne3A_31 = arith.cmpi ne, %sign3A_23, %ne3A : vector<64x10xi32>
    %rem3A = vector.broadcast %jit3A : i32 to vector<64x10xi32>
    %rem3A_32 = arith.remsi %iota3A, %rem3A : vector<64x10xi32>
    %ne3A_33 = arith.constant 0 : i32
    %ne3A_34 = vector.broadcast %ne3A_33 : i32 to vector<64x10xi32>
    %ne3A_35 = arith.cmpi ne, %rem3A_32, %ne3A_34 : vector<64x10xi32>
    %and3A = arith.andi %ne3A_31, %ne3A_35 : vector<64x10xi1>
    %sub3A = arith.constant 1 : i32
    %sub3A_36 = vector.broadcast %sub3A : i32 to vector<64x10xi32>
    %sub3A_37 = arith.subi %div3A_15, %sub3A_36 : vector<64x10xi32>
    %select_n3A = arith.select %and3A, %sub3A_37, %div3A_15 : vector<64x10xi1>, vector<64x10xi32>
    %eq3A = arith.cmpi eq, %select_n3A, %iota3A_14 : vector<64x10xi32>
    %convert_element_type3A = arith.extui %eq3A : vector<64x10xi1> to vector<64x10xi32>
    %convert_element_type3A_38 = arith.sitofp %convert_element_type3A : vector<64x10xi32> to vector<64x10xf32>
    %iota3A_39 = tpu.iota {dimensions = array<i32: 0>} : vector<64x5xi32>
    %iota3A_40 = tpu.iota {dimensions = array<i32: 1>} : vector<64x5xi32>
    %jit3A_41 = arith.constant 5 : i32
    %eq3A_42 = arith.constant 0 : i32
    %eq3A_43 = arith.cmpi eq, %jit3A_41, %eq3A_42 : i32
    %jit3A_44 = arith.constant 1 : i32
    %select_n3A_45 = arith.select %eq3A_43, %jit3A_44, %jit3A_41 : i32
    %rem3A_46 = vector.broadcast %select_n3A_45 : i32 to vector<64x5xi32>
    %rem3A_47 = arith.remsi %iota3A_39, %rem3A_46 : vector<64x5xi32>
    %ne3A_48 = arith.constant 0 : i32
    %ne3A_49 = vector.broadcast %ne3A_48 : i32 to vector<64x5xi32>
    %ne3A_50 = arith.cmpi ne, %rem3A_47, %ne3A_49 : vector<64x5xi32>
    %lt3A = arith.constant 0 : i32
    %lt3A_51 = vector.broadcast %lt3A : i32 to vector<64x5xi32>
    %lt3A_52 = arith.cmpi slt, %rem3A_47, %lt3A_51 : vector<64x5xi32>
    %lt3A_53 = arith.constant 0 : i32
    %lt3A_54 = arith.cmpi slt, %select_n3A_45, %lt3A_53 : i32
    %ne3A_55 = vector.broadcast %lt3A_54 : i1 to vector<64x5xi1>
    %ne3A_56 = vector.broadcast %ne3A_55 : vector<64x5xi1> to vector<64x5xi1>
    %ne3A_57 = arith.xori %lt3A_52, %ne3A_56 : vector<64x5xi1>
    %and3A_58 = arith.andi %ne3A_57, %ne3A_50 : vector<64x5xi1>
    %add3A = vector.broadcast %select_n3A_45 : i32 to vector<64x5xi32>
    %add3A_59 = arith.addi %rem3A_47, %add3A : vector<64x5xi32>
    %select_n3A_60 = arith.select %and3A_58, %add3A_59, %rem3A_47 : vector<64x5xi1>, vector<64x5xi32>
    %eq3A_61 = arith.cmpi eq, %select_n3A_60, %iota3A_40 : vector<64x5xi32>
    %convert_element_type3A_62 = arith.extui %eq3A_61 : vector<64x5xi1> to vector<64x5xi32>
    %convert_element_type3A_63 = arith.sitofp %convert_element_type3A_62 : vector<64x5xi32> to vector<64x5xf32>
    %dot_general3A_64 = arith.constant dense<0.000000e+00> : vector<64x128xf32>
    %dot_general3A_65 = tpu.matmul %convert_element_type3A_38, %dot_general3A_5, %dot_general3A_64 {dimension_numbers = #tpu.dot_dimension_numbers<[1], [0], [0], [1], [0, 0, 1, 1], [], []>, transpose_lhs_hint = false} : vector<64x10xf32>, vector<10x128xf32>, vector<64x128xf32> -> vector<64x128xf32>
    %dot_general3A_66 = arith.constant dense<0.000000e+00> : vector<64x128xf32>
    %dot_general3A_67 = tpu.matmul %convert_element_type3A_63, %dot_general3A_13, %dot_general3A_66 {dimension_numbers = #tpu.dot_dimension_numbers<[1], [0], [0], [1], [0, 0, 1, 1], [], []>, transpose_lhs_hint = false} : vector<64x5xf32>, vector<5x128xf32>, vector<64x128xf32> -> vector<64x128xf32>
    %add3A_68 = arith.addf %dot_general3A_65, %dot_general3A_67 : vector<64x128xf32>
    %get3A_69 = arith.constant 0 : index
    %get3A_70 = arith.constant 0 : index
    %get3A_71 = vector.load %arg3[%get3A_69, %get3A_70] : memref<1x128xf32, #tpu.memory_space<vmem>>, vector<1x128xf32>
    %add3A_72 = vector.broadcast %get3A_71 : vector<1x128xf32> to vector<64x128xf32>
    %add3A_73 = arith.addf %add3A_68, %add3A_72 : vector<64x128xf32>
    %reduce_sum3A = arith.constant dense<0.000000e+00> : vector<64xf32>
    %reduce_sum3A_74 = vector.multi_reduction <add>, %add3A_73, %reduce_sum3A [1] : vector<64x128xf32> to vector<64xf32>
    %broadcast_in_dim3A = vector.shape_cast %reduce_sum3A_74 : vector<64xf32> to vector<64x1xf32>
    %div3A_75 = arith.constant 1.280000e+02 : f32
    %div3A_76 = vector.broadcast %div3A_75 : f32 to vector<64x1xf32>
    %div3A_77 = arith.divf %broadcast_in_dim3A, %div3A_76 : vector<64x1xf32>
    %sub3A_78 = vector.broadcast %div3A_77 : vector<64x1xf32> to vector<64x128xf32>
    %sub3A_79 = arith.subf %add3A_73, %sub3A_78 : vector<64x128xf32>
    %mul3A = arith.mulf %sub3A_79, %sub3A_79 : vector<64x128xf32>
    %reduce_sum3A_80 = arith.constant dense<0.000000e+00> : vector<64xf32>
    %reduce_sum3A_81 = vector.multi_reduction <add>, %mul3A, %reduce_sum3A_80 [1] : vector<64x128xf32> to vector<64xf32>
    %broadcast_in_dim3A_82 = vector.shape_cast %reduce_sum3A_81 : vector<64xf32> to vector<64x1xf32>
    %div3A_83 = arith.constant 1.280000e+02 : f32
    %div3A_84 = vector.broadcast %div3A_83 : f32 to vector<64x1xf32>
    %div3A_85 = arith.divf %broadcast_in_dim3A_82, %div3A_84 : vector<64x1xf32>
    %add3A_86 = arith.constant 9.99999974E-6 : f32
    %add3A_87 = vector.broadcast %add3A_86 : f32 to vector<64x1xf32>
    %add3A_88 = arith.addf %div3A_85, %add3A_87 : vector<64x1xf32>
    %rsqrt3A = math.rsqrt %add3A_88 : vector<64x1xf32>
    %mul3A_89 = vector.broadcast %rsqrt3A : vector<64x1xf32> to vector<64x128xf32>
    %mul3A_90 = arith.mulf %sub3A_79, %mul3A_89 : vector<64x128xf32>
    %get3A_91 = arith.constant 0 : index
    %get3A_92 = arith.constant 0 : index
    %get3A_93 = vector.load %arg4[%get3A_91, %get3A_92] : memref<1x128xf32, #tpu.memory_space<vmem>>, vector<1x128xf32>
    %mul3A_94 = vector.broadcast %get3A_93 : vector<1x128xf32> to vector<64x128xf32>
    %mul3A_95 = arith.mulf %mul3A_90, %mul3A_94 : vector<64x128xf32>
    %get3A_96 = arith.constant 0 : index
    %get3A_97 = arith.constant 0 : index
    %get3A_98 = vector.load %arg5[%get3A_96, %get3A_97] : memref<1x128xf32, #tpu.memory_space<vmem>>, vector<1x128xf32>
    %add3A_99 = vector.broadcast %get3A_98 : vector<1x128xf32> to vector<64x128xf32>
    %add3A_100 = arith.addf %mul3A_95, %add3A_99 : vector<64x128xf32>
    %mul3A_101 = arith.constant 5.000000e-01 : f32
    %mul3A_102 = vector.broadcast %mul3A_101 : f32 to vector<64x128xf32>
    %mul3A_103 = arith.mulf %add3A_100, %mul3A_102 : vector<64x128xf32>
    %mul3A_104 = arith.constant 0.707106769 : f32
    %mul3A_105 = vector.broadcast %mul3A_104 : f32 to vector<64x128xf32>
    %mul3A_106 = arith.mulf %add3A_100, %mul3A_105 : vector<64x128xf32>
    %erf3A = math.erf %mul3A_106 : vector<64x128xf32>
    %add3A_107 = arith.constant 1.000000e+00 : f32
    %add3A_108 = vector.broadcast %add3A_107 : f32 to vector<64x128xf32>
    %add3A_109 = arith.addf %add3A_108, %erf3A : vector<64x128xf32>
    %mul3A_110 = arith.mulf %mul3A_103, %add3A_109 : vector<64x128xf32>
    %swap3A = arith.constant 0 : index
    %swap3A_111 = arith.constant 0 : index
    %swap3A_112 = vector.load %arg6[%swap3A, %swap3A_111] : memref<64x128xf32, #tpu.memory_space<vmem>>, vector<64x128xf32>
    tpu.vector_store %arg6[%swap3A, %swap3A_111], %mul3A_110 {strides = array<i32>} : memref<64x128xf32, #tpu.memory_space<vmem>>, vector<64x128xf32>,
    return
  }
}

</mosaic_0001>

<sc_bundles>
// kernel: kernel.4.cloned.1.call-start
scs
__scs_entry_jumppad:
0x0: {  	(pc) =	sbr.rel $0x88, $3  }
0x1: {  	(tag) =	ssettag $0x0;
	lr =	simm.s32 $0x1  }
0x2: {  	[smem:$0x3F99] =	sst lr;
	_ =	strace $0xD0000000  }
0x3: {  	_ = 	snop  }
0x4: {  	_ = 	snop  }
0x5: {  	_ = 	snop  }
0x6: {  	_ = 	snop  }
0x7: {  	_ = 	snop  }
__scs_overlays_trampoline_lowered:
0x8: {  	[smem:$0x3FA8] =	sst s0  }
0x9: {  	[smem:$0x3FA9] =	sst s1  }
0xa: {  	[smem:$0x3FAA] =	sst s2  }
0xb: {  	[smem:$0x3FAB] =	sst s3  }
0xc: {  	[smem:$0x3FAC] =	sst s4  }
0xd: {  	[smem:$0x3FAD] =	sst s5  }
0xe: {  	[smem:$0x3FAE] =	sst s6  }
0xf: {  	[smem:$0x3FAF] =	sst s7  }
0x10: {  	[smem:$0x3FB0] =	sst s8  }
0x11: {  	[smem:$0x3FB1] =	sst s9;
	s0 =	simm.s32 @!p0 $0x0  }
0x12: {  	s1 =	sld [smem:$0x3F97];
	s0 =	simm.s32 @p0 $0x1  }
0x13: {  	[smem:$0x3FB2] =	sst s0;
	s0 =	simm.s32 @!p1 $0x0  }
0x14: {  	s2 =	sld [smem:$0x3F96];
	s0 =	simm.s32 @p1 $0x1  }
0x15: {  	[smem:$0x3FB3] =	sst s0;
	s0 =	simm.s32 @!p2 $0x0  }
0x16: {  	s3 =	sld [smem:$0x3FDB];
	s0 =	simm.s32 @p2 $0x1  }
0x17: {  	s4 =	simm.s32 $0x1BF5;
	[smem:$0x3FB5] =	sst s0  }
0x18: {  	s0 =	sld [smem:$0x3F98];
	_ =	swait.ge [sflag:s4], $0x0  }
0x19: {  	s7 =	sld [smem:$0x3F99]  }
0x1a: {  	s8 =	sadd.s32 $0xFFFFE003, lr  }
0x1b: {  	s9 =	sadd.s32 $0xFFFFFEF7, lr;
	s5 =	simm.s32 $0xFFFFFFFF;
	p2 =	slt.u32 s8, $0xFFFFF086  }
0x1c: {  	p1 =	slt.u32 s9, $0xF7A;
	s5 =	simm.s32 @!p2 $0x0  }
0x1d: {  	s5 =	simm.s32 @p1 $0x1;
	p0 =	seq.s32 s7, s2  }
0x1e: {  	s7 =	smul.u32 @!p0 $0xF7A, s2;
	p2 =	seq.s32 @!p0 s5, $0x0  }
0x1f: {  	s9 =	smul.u32 $0xF7A, s1;
	s8 =	simm.s32 @!p0 $0x1BF5;
	p2 =	por !p2, p0  }
0x20: {  	[sflag:s8] =	ssyncset.s32 @!p0 $0xFFFFF086;
	s6 =	sadd.s32 @!p0 s3, s7;
	s7 =	simm.s32 @!p0 $0x108  }
0x21: {  	s3 =	sadd.s32 s3, s9;
	s6 =	sadd.s32 @!p0 $0x88, s6;
	s7 =	simm.s32 @p2 $0x1082  }
0x22: {  	[simem:s7], [sflag:s8] =	dma.local @!p0 [hbm:s6], $0xF7A  }
0x23: {  	s9 =	sor.u32 $0xD0000000, s2;
	s6 =	simm.s32 $0x108;
	_ =	swait.ge @!p0 [sflag:s8], $0x0  }
0x24: {  	s3 =	sadd.s32 $0x88, s3;
	s6 =	simm.s32 @!p1 $0x1082;
	[sflag:s4] =	ssyncset.s32 $0xFFFFF086  }
0x25: {  	[simem:s6], [sflag:s4] =	dma.local [hbm:s3], $0xF7A  }
0x26: {  	[smem:$0x3F99] =	sst s1;
	(tag) =	ssettag s2;
	_ =	strace s9  }
0x27: {  	s1 =	sld [smem:$0x3FA9]  }
0x28: {  	s2 =	sld [smem:$0x3FAA]  }
0x29: {  	s4 =	sld [smem:$0x3FAC]  }
0x2a: {  	p0 =	seq.s32 s5, $0x0;
	s5 =	sld [smem:$0x3FAD]  }
0x2b: {  	s6 =	sld [smem:$0x3FAE]  }
0x2c: {  	s7 =	sld [smem:$0x3FAF]  }
0x2d: {  	s3 =	simm.s32 $0x108;
	s8 =	sld [smem:$0x3FB0]  }
0x2e: {  	s3 =	simm.s32 @!p0 $0x1082;
	s9 =	sld [smem:$0x3FB1]  }
0x2f: {  	lr =	sadd.s32 s0, s3;
	s0 =	sld [smem:$0x3FA8]  }
0x30: {  	s3 =	sld [smem:$0x3FAB]  }
0x31: {  	[smem:$0x3FB4] =	sst s10  }
0x32: {  	s10 =	sld [smem:$0x3FB2];
	_ =	sdelay $0x3  }
0x33: {  	p0 =	seq.s32 s10, $0x1;
	s10 =	sld [smem:$0x3FB4];
	_ =	sdelay $0x3  }
0x34: {  	[smem:$0x3FB4] =	sst s10  }
0x35: {  	s10 =	sld [smem:$0x3FB3];
	_ =	sdelay $0x3  }
0x36: {  	p1 =	seq.s32 s10, $0x1;
	s10 =	sld [smem:$0x3FB4];
	_ =	sdelay $0x3  }
0x37: {  	[smem:$0x3FB4] =	sst s10  }
0x38: {  	s10 =	sld [smem:$0x3FB5]  }
0x39: {  	_ = 	snop;
	(pc) =	sbr.ind lr, $3  }
0x3a: {  	_ = 	snop  }
0x3b: {  	_ = 	snop  }
0x3c: {  	p2 =	seq.s32 s10, $0x1;
	s10 =	sld [smem:$0x3FB4]  }
0x3d: {  	_ =	shalt  }
0x3e: {  	_ =	shalt  }
0x3f: {  	_ =	shalt  }
0x40: {  	_ =	shalt  }
0x41: {  	_ =	shalt  }
0x42: {  	_ =	shalt  }
0x43: {  	_ =	shalt  }
0x44: {  	_ =	shalt  }
0x45: {  	_ =	shalt  }
0x46: {  	_ =	shalt  }
0x47: {  	_ =	shalt  }
0x48: {  	_ =	shalt  }
0x49: {  	_ =	shalt  }
0x4a: {  	_ =	shalt  }
0x4b: {  	_ =	shalt  }
0x4c: {  	_ =	shalt  }
0x4d: {  	_ =	shalt  }
0x4e: {  	_ =	shalt  }
0x4f: {  	_ =	shalt  }
0x50: {  	_ =	shalt  }
0x51: {  	_ =	shalt  }
0x52: {  	_ =	shalt  }
0x53: {  	_ =	shalt  }
0x54: {  	_ =	shalt  }
0x55: {  	_ =	shalt  }
0x56: {  	_ =	shalt  }
0x57: {  	_ =	shalt  }
0x58: {  	_ =	shalt  }
0x59: {  	_ =	shalt  }
0x5a: {  	_ =	shalt  }
0x5b: {  	_ =	shalt  }
0x5c: {  	_ =	shalt  }
0x5d: {  	_ =	shalt  }
0x5e: {  	_ =	shalt  }
0x5f: {  	_ =	shalt  }
0x60: {  	_ =	shalt  }
0x61: {  	_ =	shalt  }
0x62: {  	_ =	shalt  }
0x63: {  	_ =	shalt  }
0x64: {  	_ =	shalt  }
0x65: {  	_ =	shalt  }
0x66: {  	_ =	shalt  }
0x67: {  	_ =	shalt  }
0x68: {  	_ =	shalt  }
0x69: {  	_ =	shalt  }
0x6a: {  	_ =	shalt  }
0x6b: {  	_ =	shalt  }
0x6c: {  	_ =	shalt  }
0x6d: {  	_ =	shalt  }
0x6e: {  	_ =	shalt  }
0x6f: {  	_ =	shalt  }
0x70: {  	_ =	shalt  }
0x71: {  	_ =	shalt  }
0x72: {  	_ =	shalt  }
0x73: {  	_ =	shalt  }
0x74: {  	_ =	shalt  }
0x75: {  	_ =	shalt  }
0x76: {  	_ =	shalt  }
0x77: {  	_ =	shalt  }
0x78: {  	_ =	shalt  }
0x79: {  	_ =	shalt  }
0x7a: {  	_ =	shalt  }
0x7b: {  	_ =	shalt  }
0x7c: {  	_ =	shalt  }
0x7d: {  	_ =	shalt  }
0x7e: {  	_ =	shalt  }
0x7f: {  	_ =	shalt  }
0x80: {  	_ =	shalt  }
0x81: {  	_ =	shalt  }
0x82: {  	_ =	shalt  }
0x83: {  	_ =	shalt  }
0x84: {  	_ =	shalt  }
0x85: {  	_ =	shalt  }
0x86: {  	_ =	shalt  }
0x87: {  	_ =	shalt  }
.Lfunc_end0:
.L_simem_size_0:
called_computation_lowered:
.L_overlay_start_0:
0x88: {  	s2 =	sld [smem:$0x3FD9]  }
0x89: {  	s3 =	sld [smem:$0x3FFE];
	_ =	sdelay $0x1  }
0x8a: {  	s1 =	srdreg.scid  }
0x8b: {  	s0 =	sand.u32 $0x1, s1  }
0x8c: {  	s17 =	sshll.u32 s0, $0xA;
	s2 =	sadd.s32 s3, s2  }
0x8d: {  	s2 =	sadd.s32 s2, s17  }
0x8e: {  	[smem:$0x3FC0] =	sst s2  }
0x8f: {  	_ = 	snop  }
0x90: {  	s2 =	sld [smem:$0x3FC9]  }
0x91: {  	s18 =	sld [smem:$0x3FC8]  }
0x92: {  	s4 =	sld [smem:$0x3FD0];
	(tm) =	ssettm $0x1  }
0x93: {  	s5 =	sld [smem:$0x3FFB];
	_ =	sdelay $0x3  }
0x94: {  	_ =	strace s5  }
0x95: {  	s5 =	sld [smem:$0x3FFC];
	_ =	sdelay $0x3  }
0x96: {  	_ =	strace s5  }
0x97: {  	s5 =	sld [smem:$0x3FFD];
	_ =	sdelay $0x3  }
0x98: {  	_ =	strace s5  }
0x99: {  	_ =	strace $0x8FFFFFFF  }
0x9a: {  	s19 =	sld [smem:$0x3FDB];
	_ =	sdelay $0x1  }
0x9b: {  	s6 =	simm.s32 $_scs_section_size  }
0x9c: {  	s7 =	simm.s32 $_size__tile_overlayer_lowered;
	s8 =	simm.s32 $_tile_overlayer_lowered  }
0x9d: {  	s22 =	simm.s32 $0x1BFF;
	s21 =	sshll.u32 s8, $0x1;
	s5 =	sadd.s32 s6, s19  }
0x9e: {  	s9 =	simm.s32 $0x0;
	s20 =	sshll.u32 s7, $0x1;
	s7 =	sadd.s32 s21, s5  }
0x9f: {  	[timem:s9], [sflag:s22] =	dma.local [hbm:s7], s20  }
0xa0: {  	_ =	swait.ge [sflag:s22], s20  }
0xa1: {  	s6 =	ssub.s32 $0x0, s20;
	[sflag:s22] =	ssyncset.done $0x0  }
0xa2: {  	[sflag:s22] =	ssyncadd.s32 s6;
	_ =	sdelay $0x1  }
0xa3: {  	s23 =	simm.s32 $0x1B8B  }
0xa4: {  	_ =	swait.ge [sflag:s23], $0x1  }
0xa5: {  	[sflag:s23] =	ssyncset.done $0x0  }
0xa6: {  	s25 =	simm.s32 $0x1B8E;
	s24 =	sld [smem:$0x3FFE];
	[sflag:s23] =	ssyncadd.s32 $0xFFFFFFFF  }
0xa7: {  	s26 =	simm.s32 $execute0_lowered;
	[smem:$0x3FD2] =	sst s25  }
0xa8: {  	s7 =	sshll.u32 s26, $0x1;
	_ =	strace $0x80000046;
	[dreg:$0x1] =	wrdreg $0xFFFFFFFF  }
0xa9: {  	s28 =	simm.s32 $_size_execute0_lowered;
	s5 =	sadd.s32 s5, s7;
	[dreg:$0x0] =	wrdreg $0x0  }
0xaa: {  	s7 =	sshll.u32 s28, $0x1;
	[dreg:$0x2] =	wrdreg s5  }
0xab: {  	[dreg:$0x3] =	wrdreg s7  }
0xac: {  	[dreg:$0x4] =	wrdreg $0xC0  }
0xad: {  	_ =	task [dreg:s9], $0x5FFFF  }
0xae: {  	[dreg:$0x1] =	wrdreg $0xFFFFFFFF  }
0xaf: {  	[dreg:$0x0] =	wrdreg $0x60  }
0xb0: {  	[dreg:$0x2] =	wrdreg s2  }
0xb1: {  	[dreg:$0x3] =	wrdreg s18  }
0xb2: {  	[dreg:$0x4] =	wrdreg s24  }
0xb3: {  	[dreg:$0x5] =	wrdreg s4  }
0xb4: {  	[dreg:$0x6] =	wrdreg $0xC000  }
0xb5: {  	[dreg:$0x7] =	wrdreg $0x9  }
0xb6: {  	_ =	task.clear_ibuf [dreg:s9], $0x8FFFF;
	_ =	strace $0x90000046  }
0xb7: {  	s29 =	simm.s32 $0x9;
	_ =	strace $0x80000048  }
0xb8: {  	_ =	swait.ge [sflag:s29], $0x1  }
0xb9: {  	[sflag:s29] =	ssyncadd.s32 $0xFFFFFFFF  }
0xba: {  	_ =	strace $0x90000048  }
0xbb: {  	_ =	sfence  }
0xbc: {  	s30 =	sld [smem:$0x0];
	_ =	sdelay $0x2  }
0xbd: {  	s31 =	sshll.u32 s1, $0xD;
	s1 =	sshrl.u32 s1, $0x2  }
0xbe: {  	s3 =	sand.u32 $0x4000, s31;
	s1 =	sadd.s32 s1, s30  }
0xbf: {  	s0 =	sor.u32 s3, s0;
	s1 =	sshll.u32 s1, $0x11  }
0xc0: {  	s0 =	sor.u32 s1, s0  }
0xc1: {  	s0 =	sadd.s32 $0x8F2B, s0  }
0xc2: {  	[sflag:s0] =	ssyncadd.remote.s32 $0x1  }
0xc3: {  	_ =	sfence.sel $0xFFFF  }
0xc4: {  	[dreg:$0x0] =	wrdreg $0xFFFFFFFF;
	(pc) =	sbr.abs _section_cstart, $3  }
0xc5: {  	[dreg:$0x1] =	wrdreg $0xFFFFFFFF  }
0xc6: {  	_ =	task.clear_ibuf [dreg:s9], $0x2FFFF;
	_ =	strace $0x9FFFFFFF  }
0xc7: {  	(tm) =	ssettm $0x7FFFFFFF  }
tec
execute0_lowered:
.L_overlay_start_1:
0x0: {  	(tag) =	ssettag $0x1  }
0x1: {  	s3 =	rddreg [dreg:$0x0]  }
0x2: {  	s4 =	rddreg [dreg:$0x1]  }
0x3: {  	s5 =	rddreg [dreg:$0x2]  }
0x4: {  	s6 =	rddreg [dreg:$0x3];
	s2 =	srdreg.scid  }
0x5: {  	s1 =	rddreg [dreg:$0x4];
	s8 =	sand.u32 $0x1, s2;
	s2 =	simm.s32 $0x0  }
0x6: {  	s7 =	stileid.u32;
	s5 =	sadd.s32 $0x1200, s5;
	[smem:$0x7FF] =	sst s2  }
0x7: {  	s23 =	simm.s32 $0x200;
	_ =	strace $0x80000047;
	[dreg:$0x6] =	wrdreg s5  }
0x8: {  	s24 =	simm.s32 $0x400;
	s25 =	simm.s32 $0x480;
	[dreg:$0x19] =	wrdreg s23  }
0x9: {  	s9 =	sshll.u32 s7, $0xA;
	s10 =	sshll.u32 s8, $0x9;
	[dreg:$0x1a] =	wrdreg s24  }
0xa: {  	s26 =	simm.s32 $0x500;
	s9 =	sor.u32 s10, s9;
	[dreg:$0x1b] =	wrdreg s25  }
0xb: {  	s30 =	simm.s32 $0x580;
	[dreg:$0x1c] =	wrdreg s26;
	s10 =	sshrl.u32 s9, $0x3  }
0xc: {  	[dreg:$0x1d] =	wrdreg s30;
	s3 =	sadd.s32 s3, s10  }
0xd: {  	p0 =	sne.s32 s7, $0x0;
	s4 =	sadd.s32 s4, s10;
	[dreg:$0x7] =	wrdreg s3  }
0xe: {  	s31 =	sshll.u32 s9, $0x4;
	[dreg:$0x8] =	wrdreg s4;
	s4 =	sshrl.u32 @!p0 s1, $0x3  }
0xf: {  	s3 =	sadd.s32 s6, s31;
	s31 =	simm.s32 $0x600;
	[dreg:$0x18] =	wrdreg s4  }
0x10: {  	s0 =	sadd.s32 $0x200, s3;
	[dreg:$0x1e] =	wrdreg s31  }
0x11: {  	s5 =	sadd.s32 $0x400, s3;
	[dreg:$0x9] =	wrdreg s0  }
0x12: {  	s6 =	sadd.s32 $0x600, s3;
	[dreg:$0xa] =	wrdreg s5  }
0x13: {  	s9 =	sadd.s32 $0x800, s3;
	[dreg:$0xb] =	wrdreg s6  }
0x14: {  	s10 =	sadd.s32 $0xA00, s3;
	[dreg:$0xc] =	wrdreg s9  }
0x15: {  	s11 =	sadd.s32 $0xC00, s3;
	[dreg:$0xd] =	wrdreg s10  }
0x16: {  	s12 =	sadd.s32 $0xE00, s3;
	[dreg:$0xe] =	wrdreg s11  }
0x17: {  	s28 =	simm.s32 $0xFE00;
	s13 =	sadd.s32 $0x1000, s3;
	[dreg:$0xf] =	wrdreg s12  }
0x18: {  	s29 =	simm.s32 $0x2;
	s14 =	sadd.s32 $0x1200, s3;
	[dreg:$0x10] =	wrdreg s13  }
0x19: {  	s7 =	simm.s32 $0xE00;
	s15 =	sadd.s32 $0x1400, s3;
	[dreg:$0x11] =	wrdreg s14  }
0x1a: {  	s19 =	ssub.s32 $0x2, s8;
	s16 =	sadd.s32 $0x1600, s3;
	[dreg:$0x12] =	wrdreg s15  }
0x1b: {  	s8 =	simm.s32 $0x1E00;
	s17 =	sadd.s32 $0x1800, s3;
	[dreg:$0x13] =	wrdreg s16  }
0x1c: {  	s22 =	sshrl.u32 s19, $0x1;
	s18 =	sadd.s32 $0x1A00, s3;
	[dreg:$0x14] =	wrdreg s17  }
0x1d: {  	s23 =	simm.s32 $0xDE00;
	s20 =	sadd.s32 $0x1C00, s3;
	[dreg:$0x15] =	wrdreg s18  }
0x1e: {  	s24 =	simm.s32 $0xB00;
	s21 =	sadd.s32 $0x1E00, s3;
	[dreg:$0x16] =	wrdreg s20  }
0x1f: {  	s25 =	simm.s32 $0xEE00;
	s26 =	simm.s32 $0xB80;
	[dreg:$0x17] =	wrdreg s21  }
0x20: {  	s5 =	ssub.s32 s19, s22;
	s6 =	simm.s32 $0x20;
	s9 =	simm.s32 $0x2E00  }
0x21: {  	s11 =	simm.s32 $0x680;
	s10 =	simm.s32 $0x3E00;
	s12 =	simm.s32 $0x700  }
0x22: {  	s13 =	simm.s32 $0x780;
	s14 =	simm.s32 $0x800;
	s15 =	simm.s32 $0x880  }
0x23: {  	s17 =	simm.s32 $0x900;
	s16 =	simm.s32 $0x9E00;
	s18 =	simm.s32 $0x980  }
0x24: {  	s19 =	simm.s32 $0xBE00;
	s20 =	simm.s32 $0xA00;
	[dreg:$0x1f] =	wrdreg s11  }
0x25: {  	s21 =	simm.s32 $0xCE00;
	s22 =	simm.s32 $0xA80;
	[smem:$0x7F9] =	sst s12  }
0x26: {  	s4 =	smax.u32 s5, $0x1;
	s5 =	simm.s32 $0x1;
	[smem:$0x7FA] =	sst s13  }
0x27: {  	s11 =	simm.s32 $0x4E00;
	s12 =	simm.s32 $0x5E00;
	[smem:$0x7FB] =	sst s14  }
0x28: {  	s13 =	simm.s32 $0x6E00;
	s14 =	simm.s32 $0x7E00;
	[smem:$0x7FC] =	sst s15  }
0x29: {  	s15 =	simm.s32 $0x8E00;
	[smem:$0x7FD] =	sst s17;
	s17 =	simm.s32 $0xAE00  }
.LBB2_1:
0x2a: {  	s30 =	rddreg [dreg:$0x6]  }
0x2b: {  	s31 =	rddreg [dreg:$0x18];
	s0 =	simm.s32 @!p0 $0x1C03  }
0x2c: {  	[spmem:s31], [sflag:s0] =	dma.local @!p0 [hbm:s30], $0x400  }
0x2d: {  	s0 =	rddreg [dreg:$0x7]  }
0x2e: {  	s30 =	rddreg [dreg:$0x8]  }
0x2f: {  	[tilespmem:s2], [sflag:$0x1] =	stream.linear.gather [hbm4b:s0+s2], $0x200, $0x38;
	[tilespmem:$0x10E00] =	vst v63  }
0x30: {  	s31 =	rddreg [dreg:$0x19]  }
0x31: {  	[tilespmem:s31], [sflag:$0x1] =	stream.linear.gather [hbm4b:s30+s2], $0x200, $0x38;
	[tilespmem:$0x10E00] =	vst v63  }
0x32: {  	_ =	swait.ge [sflag:s5], $0x200  }
0x33: {  	[sflag:s5] =	ssyncset.done $0x0  }
0x34: {  	[sflag:s5] =	ssyncadd.s32 $0xFFFFFE00  }
0x35: {  	_ =	swait.ge [sflag:s5], $0x200  }
0x36: {  	[sflag:s5] =	ssyncset.done $0x0  }
0x37: {  	[sflag:s5] =	ssyncadd.s32 $0xFFFFFE00  }
0x38: {  	v0 =	vld [tilespmem:$0x0]  }
0x39: {  	v1 =	vld [tilespmem:$0x200]  }
0x3a: {  	v2 =	vld [tilespmem:$0x10]  }
0x3b: {  	v3 =	vld [tilespmem:$0x210]  }
0x3c: {  	v4 =	vld [tilespmem:$0x20]  }
0x3d: {  	v5 =	vld [tilespmem:$0x220]  }
0x3e: {  	v6 =	vld [tilespmem:$0x30]  }
0x3f: {  	v7 =	vld [tilespmem:$0x230]  }
0x40: {  	v8 =	vld [tilespmem:$0x40]  }
0x41: {  	v12 =	vld [tilespmem:$0x240]  }
0x42: {  	v15 =	vld [tilespmem:$0x50]  }
0x43: {  	v9 =	vld [tilespmem:$0x250]  }
0x44: {  	v18 =	vld [tilespmem:$0x60]  }
0x45: {  	vm0 =	vgt.s32 v0, $0x0  }
0x46: {  	v20 =	vld [tilespmem:$0x270];
	vm14 =	vgt.s32 v1, $0x0;
	vm1 =	vgt.s32 v2, $0x0;
	vm15 =	vgt.s32 v3, $0x0  }
0x47: {  	v22 =	vld [tilespmem:$0x80];
	vm4 =	vgt.s32 v4, $0x0;
	vm5 =	vgt.s32 v5, $0x0;
	vm6 =	vgt.s32 v6, $0x0  }
0x48: {  	v25 =	vld [tilespmem:$0x90];
	vm7 =	vgt.s32 v7, $0x0;
	vm8 =	vgt.s32 v8, $0x0;
	vm9 =	vgt.s32 v12, $0x0  }
0x49: {  	v29 =	vld [tilespmem:$0xB0];
	vm10 =	vgt.s32 v15, $0x0;
	vm11 =	vgt.s32 v9, $0x0;
	vm12 =	vgt.s32 v18, $0x0  }
0x4a: {  	v32 =	vld [tilespmem:$0xC0];
	v0 =	vnsel vm0, $0x0, v0;
	v1 =	vnsel vm14, $0x0, v1;
	v2 =	vnsel vm1, $0x0, v2  }
0x4b: {  	v3 =	vnsel vm15, $0x0, v3;
	v11 =	vnsel vm4, $0x0, v4;
	v13 =	vnsel vm5, $0x0, v5  }
0x4c: {  	v14 =	vnsel vm6, $0x0, v6;
	v7 =	vnsel vm7, $0x0, v7;
	v17 =	vnsel vm8, $0x0, v8  }
0x4d: {  	v27 =	vld [tilespmem:$0x2A0];
	v19 =	vnsel vm10, $0x0, v15;
	v21 =	vnsel vm11, $0x0, v9;
	v8 =	vnsel vm12, $0x0, v18  }
0x4e: {  	v34 =	vld [tilespmem:$0x2D0];
	vm15 =	vgt.s32 v20, $0x0;
	vm4 =	vgt.s32 v22, $0x0;
	vm6 =	vgt.s32 v25, $0x0  }
0x4f: {  	v36 =	vld [tilespmem:$0xE0];
	vm10 =	vgt.s32 v29, $0x0;
	vm12 =	vgt.s32 v32, $0x0;
	v0 =	vmin.u32 v0, $0x9  }
0x50: {  	v43 =	vld [tilespmem:$0x110];
	v2 =	vmin.u32 v2, $0x9;
	v1 =	vmin.u32 v1, $0x4;
	v10 =	vmin.u32 v3, $0x4  }
0x51: {  	v41 =	vld [tilespmem:$0x300];
	v4 =	vmin.u32 v13, $0x4;
	v16 =	vmin.u32 v14, $0x9;
	v5 =	vmin.u32 v17, $0x9  }
0x52: {  	v50 =	vld [tilespmem:$0x140];
	v7 =	vmin.u32 v7, $0x4;
	v3 =	vnsel vm9, $0x0, v12;
	v23 =	vmin.u32 v8, $0x9  }
0x53: {  	v59 =	vld [tilespmem:$0x170];
	v6 =	vnsel vm15, $0x0, v20;
	v26 =	vnsel vm4, $0x0, v22;
	vm9 =	vgt.s32 v27, $0x0  }
0x54: {  	v33 =	vnsel vm10, $0x0, v29;
	vm15 =	vgt.s32 v34, $0x0;
	vm4 =	vgt.s32 v36, $0x0  }
0x55: {  	v15 =	vld [tilespmem:$0x2B0];
	vm10 =	vgt.s32 v43, $0x0;
	v0 =	vmul.u32 $0x5, v0;
	v2 =	vmul.u32 $0x5, v2  }
0x56: {  	v12 =	vld [tilespmem:$0x280];
	v5 =	vmul.u32 $0x5, v5;
	v3 =	vmin.u32 v3, $0x4;
	v6 =	vmin.u32 v6, $0x4  }
0x57: {  	v13 =	vld [tilespmem:$0x290];
	v9 =	vnsel vm9, $0x0, v27;
	v40 =	vnsel vm4, $0x0, v36;
	vm9 =	vgt.s32 v41, $0x0  }
0x58: {  	v14 =	vld [tilespmem:$0xA0];
	v47 =	vnsel vm10, $0x0, v43;
	vm4 =	vgt.s32 v50, $0x0;
	vm10 =	vgt.s32 v59, $0x0  }
0x59: {  	v55 =	vld [tilespmem:$0x360];
	v9 =	vmin.u32 v9, $0x4;
	v1 =	vadd.s32 v1, v0;
	v0 =	vadd.s32 v10, v2  }
0x5a: {  	v46 =	vld [tilespmem:$0x120];
	v2 =	vmin.u32 v11, $0x9;
	v3 =	vadd.s32 v3, v5;
	v5 =	vmin.u32 v19, $0x9  }
0x5b: {  	v18 =	vld [tilespmem:$0x2E0];
	v54 =	vnsel vm4, $0x0, v50;
	v2 =	vmul.u32 $0x5, v2;
	v5 =	vmul.u32 $0x5, v5  }
0x5c: {  	v20 =	vld [tilespmem:$0x100];
	vm11 =	vgt.s32 v15, $0x0;
	vm5 =	vgt.s32 v12, $0x0;
	vm7 =	vgt.s32 v13, $0x0  }
0x5d: {  	v48 =	vld [tilespmem:$0x330];
	vm8 =	vgt.s32 v14, $0x0;
	v35 =	vnsel vm11, $0x0, v15;
	v15 =	vnsel vm9, $0x0, v41  }
0x5e: {  	vm9 =	vgt.s32 v55, $0x0;
	v2 =	vadd.s32 v4, v2;
	v4 =	vmul.u32 $0x5, v16  }
0x5f: {  	v10 =	vld [tilespmem:$0x260];
	v28 =	vnsel vm5, $0x0, v12;
	v13 =	vnsel vm7, $0x0, v13;
	v31 =	vnsel vm8, $0x0, v14  }
0x60: {  	v11 =	vld [tilespmem:$0x70];
	v14 =	vnsel vm12, $0x0, v32;
	v12 =	vnsel vm15, $0x0, v34;
	vm5 =	vgt.s32 v18, $0x0  }
0x61: {  	v19 =	vld [tilespmem:$0x2F0];
	vm8 =	vgt.s32 v20, $0x0;
	v15 =	vmin.u32 v15, $0x4;
	vm12 =	vgt.s32 v46, $0x0  }
0x62: {  	vm15 =	vgt.s32 v48, $0x0;
	v13 =	vmin.u32 v13, $0x4;
	v37 =	vmin.u32 v14, $0x9  }
0x63: {  	v17 =	vld [tilespmem:$0xD0];
	v12 =	vmin.u32 v12, $0x4;
	v42 =	vnsel vm5, $0x0, v18;
	v45 =	vnsel vm8, $0x0, v20  }
0x64: {  	v39 =	vld [tilespmem:$0xF0];
	v20 =	vnsel vm12, $0x0, v46;
	v18 =	vnsel vm15, $0x0, v48;
	v4 =	vadd.s32 v7, v4  }
0x65: {  	vm13 =	vgt.s32 v10, $0x0;
	v7 =	vmin.u32 v21, $0x4;
	vm14 =	vgt.s32 v11, $0x0  }
0x66: {  	vm7 =	vgt.s32 v19, $0x0;
	v51 =	vmin.u32 v20, $0x9;
	v18 =	vmin.u32 v18, $0x4  }
0x67: {  	v53 =	vld [tilespmem:$0x150];
	v10 =	vnsel vm13, $0x0, v10;
	v5 =	vadd.s32 v7, v5;
	v24 =	vnsel vm14, $0x0, v11  }
0x68: {  	v7 =	vmul.u32 $0x5, v23;
	v11 =	vnsel vm6, $0x0, v25;
	vm14 =	vgt.s32 v17, $0x0  }
0x69: {  	v16 =	vld [tilespmem:$0x2C0];
	vm6 =	vgt.s32 v39, $0x0;
	v19 =	vnsel vm7, $0x0, v19;
	v8 =	vmin.u32 v24, $0x9  }
0x6a: {  	v10 =	vmin.u32 v10, $0x4;
	v30 =	vmin.u32 v11, $0x9;
	v11 =	vmin.u32 v31, $0x9  }
0x6b: {  	v32 =	vld [tilespmem:$0x390];
	v38 =	vnsel vm14, $0x0, v17;
	v17 =	vnsel vm6, $0x0, v39;
	v19 =	vmin.u32 v19, $0x4  }
0x6c: {  	v22 =	vld [tilespmem:$0x320];
	vm6 =	vgt.s32 v53, $0x0;
	v31 =	vnsel vm10, $0x0, v59;
	v8 =	vmul.u32 $0x5, v8  }
0x6d: {  	v7 =	vadd.s32 v10, v7;
	v10 =	vmin.u32 v28, $0x4;
	v11 =	vmul.u32 $0x5, v11  }
0x6e: {  	vm13 =	vgt.s32 v16, $0x0;
	v14 =	vmin.u32 v38, $0x9;
	v44 =	vmin.u32 v17, $0x9  }
0x6f: {  	[tilespmem:$0x500] =	vst v3;
	v21 =	vld [tilespmem:$0x310];
	v17 =	vmin.u32 v45, $0x9;
	v58 =	vnsel vm6, $0x0, v53;
	v3 =	vmin.u32 v31, $0x9  }
0x70: {  	v27 =	vld [tilespmem:$0x380];
	vm15 =	vgt.s32 v32, $0x0;
	v16 =	vnsel vm13, $0x0, v16;
	v14 =	vmul.u32 $0x5, v14  }
0x71: {  	v62 =	vld [tilespmem:$0x370];
	v17 =	vmul.u32 $0x5, v17;
	vm13 =	vgt.s32 v22, $0x0;
	v63 =	vmin.u32 v58, $0x9  }
0x72: {  	v43 =	vld [tilespmem:$0x3C0];
	[tilespmem:$0x510] =	vst v5;
	v3 =	vmul.u32 $0x5, v3;
	v5 =	vnsel vm15, $0x0, v32;
	v6 =	vadd.s32 v6, v8  }
0x73: {  	v23 =	vld [tilespmem:$0x130];
	v8 =	vmin.u32 v26, $0x9;
	v9 =	vadd.s32 v9, v11;
	v11 =	vmin.u32 v33, $0x9  }
0x74: {  	v25 =	vld [tilespmem:$0x350];
	v16 =	vmin.u32 v16, $0x4;
	vm11 =	vgt.s32 v21, $0x0;
	v22 =	vnsel vm13, $0x0, v22  }
0x75: {  	v50 =	vld [tilespmem:$0x3E0];
	[tilespmem:$0x400] =	vst v1;
	v1 =	vmul.u32 $0x5, v63;
	vm13 =	vgt.s32 v27, $0x0;
	v5 =	vmin.u32 v5, $0x4  }
0x76: {  	v29 =	vld [tilespmem:$0x190];
	v8 =	vmul.u32 $0x5, v8;
	v11 =	vmul.u32 $0x5, v11;
	v12 =	vadd.s32 v12, v14  }
0x77: {  	v24 =	vld [tilespmem:$0x340];
	v14 =	vmin.u32 v40, $0x9;
	v15 =	vadd.s32 v15, v17;
	v17 =	vmin.u32 v47, $0x9  }
0x78: {  	v39 =	vld [tilespmem:$0x1B0];
	v49 =	vnsel vm11, $0x0, v21;
	vm14 =	vgt.s32 v23, $0x0;
	v22 =	vmin.u32 v22, $0x4  }
0x79: {  	v46 =	vld [tilespmem:$0x3D0];
	vm7 =	vgt.s32 v25, $0x0;
	v21 =	vnsel vm9, $0x0, v55;
	vm11 =	vgt.s32 v62, $0x0  }
0x7a: {  	[tilespmem:$0x490] =	vst v4;
	v4 =	vnsel vm13, $0x0, v27;
	vm9 =	vgt.s32 v43, $0x0;
	vm13 =	vgt.s32 v50, $0x0  }
0x7b: {  	v36 =	vld [tilespmem:$0x3A0];
	v14 =	vmul.u32 $0x5, v14;
	v17 =	vmul.u32 $0x5, v17;
	v52 =	vnsel vm14, $0x0, v23  }
0x7c: {  	v45 =	vld [tilespmem:$0x1D0];
	vm5 =	vgt.s32 v24, $0x0;
	v61 =	vnsel vm7, $0x0, v25;
	v33 =	vnsel vm11, $0x0, v62  }
0x7d: {  	vm14 =	vgt.s32 v29, $0x0;
	v4 =	vmin.u32 v4, $0x4;
	vm6 =	vgt.s32 v39, $0x0  }
0x7e: {  	vm11 =	vgt.s32 v46, $0x0;
	v8 =	vadd.s32 v10, v8;
	v10 =	vmul.u32 $0x5, v30  }
0x7f: {  	v20 =	vmin.u32 v52, $0x9;
	v56 =	vnsel vm5, $0x0, v24;
	v28 =	vmin.u32 v61, $0x4  }
0x80: {  	v26 =	vld [tilespmem:$0x160];
	[tilespmem:$0x590] =	vst v6;
	v30 =	vmin.u32 v21, $0x4;
	v6 =	vmin.u32 v33, $0x4;
	v38 =	vnsel vm14, $0x0, v29  }
0x81: {  	v41 =	vld [tilespmem:$0x1C0];
	[tilespmem:$0x680] =	vst v9;
	vm5 =	vgt.s32 v36, $0x0;
	v9 =	vnsel vm6, $0x0, v39;
	vm10 =	vgt.s32 v45, $0x0  }
0x82: {  	v40 =	vld [tilespmem:$0x3B0];
	v20 =	vmul.u32 $0x5, v20;
	v60 =	vmin.u32 v56, $0x4;
	v1 =	vadd.s32 v28, v1  }
0x83: {  	[tilespmem:$0x580] =	vst v7;
	v55 =	vld [tilespmem:$0x3F0];
	v3 =	vadd.s32 v6, v3;
	v7 =	vmin.u32 v38, $0x9;
	v47 =	vmin.u32 v9, $0x9  }
0x84: {  	[tilespmem:$0x410] =	vst v0;
	v56 =	vnsel vm11, $0x0, v46;
	v10 =	vadd.s32 v13, v10;
	v13 =	vmin.u32 v35, $0x4  }
0x85: {  	vm8 =	vgt.s32 v26, $0x0;
	v7 =	vmul.u32 $0x5, v7;
	[tilespmem:$0x990] =	vst v3;
	v3 =	vmin.u32 v56, $0x4  }
0x86: {  	[tilespmem:$0x480] =	vst v2;
	v11 =	vadd.s32 v13, v11;
	v13 =	vmul.u32 $0x5, v37;
	v18 =	vadd.s32 v18, v20  }
0x87: {  	[tilespmem:$0x710] =	vst v12;
	v20 =	vmin.u32 v54, $0x9;
	v25 =	vnsel vm8, $0x0, v26;
	vm7 =	vgt.s32 v40, $0x0  }
0x88: {  	[tilespmem:$0x800] =	vst v15;
	v52 =	vld [tilespmem:$0x1F0];
	vm8 =	vgt.s32 v41, $0x0;
	v54 =	vnsel vm10, $0x0, v45;
	vm15 =	vgt.s32 v55, $0x0  }
0x89: {  	[tilespmem:$0x600] =	vst v8;
	v57 =	vmul.u32 $0x5, v20;
	v2 =	vmin.u32 v25, $0x9;
	v5 =	vadd.s32 v5, v7  }
0x8a: {  	v35 =	vld [tilespmem:$0x1A0];
	[tilespmem:$0x690] =	vst v11;
	v11 =	vnsel vm7, $0x0, v40;
	v48 =	vnsel vm8, $0x0, v41;
	v7 =	vnsel vm9, $0x0, v43  }
0x8b: {  	[tilespmem:$0x910] =	vst v1;
	v26 =	vld [tilespmem:$0x180];
	v61 =	vnsel vm15, $0x0, v55;
	v13 =	vadd.s32 v16, v13;
	v16 =	vmin.u32 v42, $0x4  }
0x8c: {  	[tilespmem:$0x610] =	vst v10;
	v2 =	vmul.u32 $0x5, v2;
	v9 =	vmin.u32 v48, $0x9;
	v53 =	vmin.u32 v7, $0x4  }
0x8d: {  	[tilespmem:$0x890] =	vst v18;
	vm14 =	vgt.s32 v52, $0x0;
	v14 =	vadd.s32 v16, v14;
	v16 =	vmul.u32 $0x5, v44  }
0x8e: {  	[tilespmem:$0xA10] =	vst v5;
	v0 =	vadd.s32 v60, v57;
	v44 =	vnsel vm5, $0x0, v36;
	v9 =	vmul.u32 $0x5, v9  }
0x8f: {  	[tilespmem:$0x700] =	vst v13;
	v59 =	vnsel vm14, $0x0, v52;
	v2 =	vadd.s32 v30, v2;
	vm4 =	vgt.s32 v35, $0x0  }
0x90: {  	[tilespmem:$0x780] =	vst v14;
	v16 =	vadd.s32 v19, v16;
	v19 =	vmin.u32 v49, $0x4;
	vm12 =	vgt.s32 v26, $0x0  }
0x91: {  	v49 =	vld [tilespmem:$0x1E0];
	[tilespmem:$0x980] =	vst v2;
	v2 =	vmin.u32 v54, $0x9;
	v17 =	vadd.s32 v19, v17;
	v34 =	vnsel vm12, $0x0, v26  }
0x92: {  	[tilespmem:$0x900] =	vst v0;
	v19 =	vmul.u32 $0x5, v51;
	v2 =	vmul.u32 $0x5, v2;
	v37 =	vmin.u32 v34, $0x9  }
0x93: {  	v42 =	vnsel vm4, $0x0, v35;
	v1 =	vadd.s32 v53, v9;
	[tilespmem:$0x790] =	vst v16;
	v6 =	vmul.u32 $0x5, v37  }
0x94: {  	[tilespmem:$0xB00] =	vst v1;
	v19 =	vadd.s32 v22, v19;
	v2 =	vadd.s32 v3, v2;
	v3 =	vmin.u32 v59, $0x9  }
0x95: {  	[tilespmem:$0x810] =	vst v17;
	v3 =	vmul.u32 $0x5, v3;
	v4 =	vadd.s32 v4, v6;
	v6 =	vmin.u32 v42, $0x9  }
0x96: {  	v1 =	vmin.u32 v61, $0x4;
	[tilespmem:$0x880] =	vst v19;
	vm12 =	vgt.s32 v49, $0x0;
	v6 =	vmul.u32 $0x5, v6  }
0x97: {  	v8 =	vmin.u32 v44, $0x4;
	[tilespmem:$0xB10] =	vst v2;
	v57 =	vnsel vm12, $0x0, v49;
	v63 =	vadd.s32 v1, v3  }
0x98: {  	[tilespmem:$0xA00] =	vst v4;
	v4 =	vmin.u32 v57, $0x9;
	v6 =	vadd.s32 v8, v6;
	v8 =	vmul.u32 $0x5, v47  }
0x99: {  	v58 =	vnsel vm13, $0x0, v50;
	v51 =	vmin.u32 v11, $0x4;
	[tilespmem:$0xB90] =	vst v63;
	v60 =	vmul.u32 $0x5, v4  }
0x9a: {  	v62 =	vmin.u32 v58, $0x4;
	[tilespmem:$0xA80] =	vst v6;
	v0 =	vadd.s32 v51, v8  }
0x9b: {  	[tilespmem:$0xA90] =	vst v0;
	v0 =	vadd.s32 v62, v60  }
0x9c: {  	s0 =	simm.s32 @!p0 $0x3;
	[tilespmem:$0xB80] =	vst v0  }
0x9d: {  	_ =	swait.ge @!p0 [sflag:s0], $0x400  }
0x9e: {  	[sflag:s0] =	ssyncset.done @!p0 $0x0  }
0x9f: {  	[sflag:s0] =	ssyncadd.s32 @!p0 $0xFFFFFC00  }
0xa0: {  	[bflag:$0x0] =	sbarrier.arrive $0xFFFF  }
0xa1: {  	s31 =	rddreg [dreg:$0x1a]  }
0xa2: {  	s30 =	rddreg [dreg:$0x1b]  }
0xa3: {  	[tilespmem:s7], [sflag:$0x1] =	stream.indirect.gather [spmem:s1], $0x80, s31, s6, $0xb8;
	[tilespmem:$0x10E00] =	vst v63  }
0xa4: {  	s31 =	rddreg [dreg:$0x1c]  }
0xa5: {  	[tilespmem:s8], [sflag:$0x1] =	stream.indirect.gather [spmem:s1], $0x80, s30, s6, $0xb8;
	[tilespmem:$0x10E00] =	vst v63  }
0xa6: {  	s30 =	rddreg [dreg:$0x1d]  }
0xa7: {  	[tilespmem:s9], [sflag:$0x1] =	stream.indirect.gather [spmem:s1], $0x80, s31, s6, $0xb8;
	[tilespmem:$0x10E00] =	vst v63  }
0xa8: {  	s31 =	rddreg [dreg:$0x1e]  }
0xa9: {  	[tilespmem:s10], [sflag:$0x1] =	stream.indirect.gather [spmem:s1], $0x80, s30, s6, $0xb8;
	[tilespmem:$0x10E00] =	vst v63  }
0xaa: {  	s30 =	rddreg [dreg:$0x1f]  }
0xab: {  	[tilespmem:s11], [sflag:$0x1] =	stream.indirect.gather [spmem:s1], $0x80, s31, s6, $0xb8;
	[tilespmem:$0x10E00] =	vst v63  }
0xac: {  	s31 =	sld [smem:$0x7F9]  }
0xad: {  	[tilespmem:s12], [sflag:$0x1] =	stream.indirect.gather [spmem:s1], $0x80, s30, s6, $0xb8;
	[tilespmem:$0x10E00] =	vst v63  }
0xae: {  	s30 =	sld [smem:$0x7FA]  }
0xaf: {  	[tilespmem:s13], [sflag:$0x1] =	stream.indirect.gather [spmem:s1], $0x80, s31, s6, $0xb8;
	[tilespmem:$0x10E00] =	vst v63  }
0xb0: {  	s31 =	sld [smem:$0x7FB]  }
0xb1: {  	[tilespmem:s14], [sflag:$0x1] =	stream.indirect.gather [spmem:s1], $0x80, s30, s6, $0xb8;
	[tilespmem:$0x10E00] =	vst v63  }
0xb2: {  	s30 =	sld [smem:$0x7FC]  }
0xb3: {  	[tilespmem:s15], [sflag:$0x1] =	stream.indirect.gather [spmem:s1], $0x80, s31, s6, $0xb8;
	[tilespmem:$0x10E00] =	vst v63  }
0xb4: {  	s31 =	sld [smem:$0x7FD]  }
0xb5: {  	[tilespmem:s16], [sflag:$0x1] =	stream.indirect.gather [spmem:s1], $0x80, s30, s6, $0xb8;
	[tilespmem:$0x10E00] =	vst v63  }
0xb6: {  	_ = 	snop  }
0xb7: {  	[tilespmem:s17], [sflag:$0x1] =	stream.indirect.gather [spmem:s1], $0x80, s31, s6, $0xb8;
	[tilespmem:$0x10E00] =	vst v63  }
0xb8: {  	_ = 	snop  }
0xb9: {  	[tilespmem:s19], [sflag:$0x1] =	stream.indirect.gather [spmem:s1], $0x80, s18, s6, $0xb8;
	[tilespmem:$0x10E00] =	vst v63  }
0xba: {  	_ = 	snop  }
0xbb: {  	[tilespmem:s21], [sflag:$0x1] =	stream.indirect.gather [spmem:s1], $0x80, s20, s6, $0xb8;
	[tilespmem:$0x10E00] =	vst v63  }
0xbc: {  	_ = 	snop  }
0xbd: {  	[tilespmem:s23], [sflag:$0x1] =	stream.indirect.gather [spmem:s1], $0x80, s22, s6, $0xb8;
	[tilespmem:$0x10E00] =	vst v63  }
0xbe: {  	_ = 	snop  }
0xbf: {  	[tilespmem:s25], [sflag:$0x1] =	stream.indirect.gather [spmem:s1], $0x80, s24, s6, $0xb8;
	[tilespmem:$0x10E00] =	vst v63  }
0xc0: {  	_ = 	snop  }
0xc1: {  	[tilespmem:s28], [sflag:$0x1] =	stream.indirect.gather [spmem:s1], $0x80, s26, s6, $0xb8;
	[tilespmem:$0x10E00] =	vst v63  }
0xc2: {  	_ =	swait.ge [sflag:s5], $0x1000  }
0xc3: {  	[sflag:s5] =	ssyncset.done $0x0  }
0xc4: {  	[sflag:s5] =	ssyncadd.s32 $0xFFFFF000  }
0xc5: {  	[hbm4b:s3+s2] =	stream.linear.scatter [tilespmem:s7], [sflag:$0x2], $0x1000, $0x38;
	[tilespmem:$0x10E00] =	vst v63  }
0xc6: {  	_ =	swait.ge [sflag:s5], $0x1000  }
0xc7: {  	[sflag:s5] =	ssyncset.done $0x0  }
0xc8: {  	s31 =	rddreg [dreg:$0x9];
	[sflag:s5] =	ssyncadd.s32 $0xFFFFF000  }
0xc9: {  	[hbm4b:s31+s2] =	stream.linear.scatter [tilespmem:s8], [sflag:$0x2], $0x1000, $0x38;
	[tilespmem:$0x10E00] =	vst v63  }
0xca: {  	_ =	swait.ge [sflag:s5], $0x1000  }
0xcb: {  	[sflag:s5] =	ssyncset.done $0x0  }
0xcc: {  	s30 =	rddreg [dreg:$0xa];
	[sflag:s5] =	ssyncadd.s32 $0xFFFFF000  }
0xcd: {  	[hbm4b:s30+s2] =	stream.linear.scatter [tilespmem:s9], [sflag:$0x2], $0x1000, $0x38;
	[tilespmem:$0x10E00] =	vst v63  }
0xce: {  	_ =	swait.ge [sflag:s5], $0x1000  }
0xcf: {  	[sflag:s5] =	ssyncset.done $0x0  }
0xd0: {  	s31 =	rddreg [dreg:$0xb];
	[sflag:s5] =	ssyncadd.s32 $0xFFFFF000  }
0xd1: {  	[hbm4b:s31+s2] =	stream.linear.scatter [tilespmem:s10], [sflag:$0x2], $0x1000, $0x38;
	[tilespmem:$0x10E00] =	vst v63  }
0xd2: {  	_ =	swait.ge [sflag:s5], $0x1000  }
0xd3: {  	[sflag:s5] =	ssyncset.done $0x0  }
0xd4: {  	s30 =	rddreg [dreg:$0xc];
	[sflag:s5] =	ssyncadd.s32 $0xFFFFF000  }
0xd5: {  	[hbm4b:s30+s2] =	stream.linear.scatter [tilespmem:s11], [sflag:$0x2], $0x1000, $0x38;
	[tilespmem:$0x10E00] =	vst v63  }
0xd6: {  	_ =	swait.ge [sflag:s5], $0x1000  }
0xd7: {  	[sflag:s5] =	ssyncset.done $0x0  }
0xd8: {  	s31 =	rddreg [dreg:$0xd];
	[sflag:s5] =	ssyncadd.s32 $0xFFFFF000  }
0xd9: {  	[hbm4b:s31+s2] =	stream.linear.scatter [tilespmem:s12], [sflag:$0x2], $0x1000, $0x38;
	[tilespmem:$0x10E00] =	vst v63  }
0xda: {  	_ =	swait.ge [sflag:s5], $0x1000  }
0xdb: {  	[sflag:s5] =	ssyncset.done $0x0  }
0xdc: {  	s30 =	rddreg [dreg:$0xe];
	[sflag:s5] =	ssyncadd.s32 $0xFFFFF000  }
0xdd: {  	[hbm4b:s30+s2] =	stream.linear.scatter [tilespmem:s13], [sflag:$0x2], $0x1000, $0x38;
	[tilespmem:$0x10E00] =	vst v63  }
0xde: {  	_ =	swait.ge [sflag:s5], $0x1000  }
0xdf: {  	[sflag:s5] =	ssyncset.done $0x0  }
0xe0: {  	s31 =	rddreg [dreg:$0xf];
	[sflag:s5] =	ssyncadd.s32 $0xFFFFF000  }
0xe1: {  	[hbm4b:s31+s2] =	stream.linear.scatter [tilespmem:s14], [sflag:$0x2], $0x1000, $0x38;
	[tilespmem:$0x10E00] =	vst v63  }
0xe2: {  	_ =	swait.ge [sflag:s5], $0x1000  }
0xe3: {  	[sflag:s5] =	ssyncset.done $0x0  }
0xe4: {  	s30 =	rddreg [dreg:$0x10];
	[sflag:s5] =	ssyncadd.s32 $0xFFFFF000  }
0xe5: {  	[hbm4b:s30+s2] =	stream.linear.scatter [tilespmem:s15], [sflag:$0x2], $0x1000, $0x38;
	[tilespmem:$0x10E00] =	vst v63  }
0xe6: {  	_ =	swait.ge [sflag:s5], $0x1000  }
0xe7: {  	[sflag:s5] =	ssyncset.done $0x0  }
0xe8: {  	s31 =	rddreg [dreg:$0x11];
	[sflag:s5] =	ssyncadd.s32 $0xFFFFF000  }
0xe9: {  	[hbm4b:s31+s2] =	stream.linear.scatter [tilespmem:s16], [sflag:$0x2], $0x1000, $0x38;
	[tilespmem:$0x10E00] =	vst v63  }
0xea: {  	_ =	swait.ge [sflag:s5], $0x1000  }
0xeb: {  	[sflag:s5] =	ssyncset.done $0x0  }
0xec: {  	s30 =	rddreg [dreg:$0x12];
	[sflag:s5] =	ssyncadd.s32 $0xFFFFF000  }
0xed: {  	[hbm4b:s30+s2] =	stream.linear.scatter [tilespmem:s17], [sflag:$0x2], $0x1000, $0x38;
	[tilespmem:$0x10E00] =	vst v63  }
0xee: {  	_ =	swait.ge [sflag:s5], $0x1000  }
0xef: {  	[sflag:s5] =	ssyncset.done $0x0  }
0xf0: {  	s31 =	rddreg [dreg:$0x13];
	[sflag:s5] =	ssyncadd.s32 $0xFFFFF000  }
0xf1: {  	[hbm4b:s31+s2] =	stream.linear.scatter [tilespmem:s19], [sflag:$0x2], $0x1000, $0x38;
	[tilespmem:$0x10E00] =	vst v63  }
0xf2: {  	_ =	swait.ge [sflag:s5], $0x1000  }
0xf3: {  	[sflag:s5] =	ssyncset.done $0x0  }
0xf4: {  	s30 =	rddreg [dreg:$0x14];
	[sflag:s5] =	ssyncadd.s32 $0xFFFFF000  }
0xf5: {  	[hbm4b:s30+s2] =	stream.linear.scatter [tilespmem:s21], [sflag:$0x2], $0x1000, $0x38;
	[tilespmem:$0x10E00] =	vst v63  }
0xf6: {  	_ =	swait.ge [sflag:s5], $0x1000  }
0xf7: {  	[sflag:s5] =	ssyncset.done $0x0  }
0xf8: {  	s31 =	rddreg [dreg:$0x15];
	[sflag:s5] =	ssyncadd.s32 $0xFFFFF000  }
0xf9: {  	[hbm4b:s31+s2] =	stream.linear.scatter [tilespmem:s23], [sflag:$0x2], $0x1000, $0x38;
	[tilespmem:$0x10E00] =	vst v63  }
0xfa: {  	_ =	swait.ge [sflag:s5], $0x1000  }
0xfb: {  	[sflag:s5] =	ssyncset.done $0x0  }
0xfc: {  	s30 =	rddreg [dreg:$0x16];
	[sflag:s5] =	ssyncadd.s32 $0xFFFFF000  }
0xfd: {  	[hbm4b:s30+s2] =	stream.linear.scatter [tilespmem:s25], [sflag:$0x2], $0x1000, $0x38;
	[tilespmem:$0x10E00] =	vst v63  }
0xfe: {  	_ =	swait.ge [sflag:s5], $0x1000  }
0xff: {  	[sflag:s5] =	ssyncset.done $0x0  }
0x100: {  	s31 =	rddreg [dreg:$0x17];
	[sflag:s5] =	ssyncadd.s32 $0xFFFFF000  }
0x101: {  	[hbm4b:s31+s2] =	stream.linear.scatter [tilespmem:s28], [sflag:$0x2], $0x1000, $0x38;
	[tilespmem:$0x10E00] =	vst v63  }
0x102: {  	_ =	swait.ge [sflag:s29], $0x1000  }
0x103: {  	[sflag:s29] =	ssyncset.done $0x0  }
0x104: {  	[sflag:s29] =	ssyncadd.s32 $0xFFFFF000  }
0x105: {  	_ =	swait.ge [sflag:s29], $0x1000  }
0x106: {  	[sflag:s29] =	ssyncset.done $0x0  }
0x107: {  	[sflag:s29] =	ssyncadd.s32 $0xFFFFF000  }
0x108: {  	_ =	swait.ge [sflag:s29], $0x1000  }
0x109: {  	[sflag:s29] =	ssyncset.done $0x0  }
0x10a: {  	[sflag:s29] =	ssyncadd.s32 $0xFFFFF000  }
0x10b: {  	_ =	swait.ge [sflag:s29], $0x1000  }
0x10c: {  	[sflag:s29] =	ssyncset.done $0x0  }
0x10d: {  	[sflag:s29] =	ssyncadd.s32 $0xFFFFF000  }
0x10e: {  	_ =	swait.ge [sflag:s29], $0x1000  }
0x10f: {  	[sflag:s29] =	ssyncset.done $0x0  }
0x110: {  	[sflag:s29] =	ssyncadd.s32 $0xFFFFF000  }
0x111: {  	_ =	swait.ge [sflag:s29], $0x1000  }
0x112: {  	[sflag:s29] =	ssyncset.done $0x0  }
0x113: {  	[sflag:s29] =	ssyncadd.s32 $0xFFFFF000  }
0x114: {  	_ =	swait.ge [sflag:s29], $0x1000  }
0x115: {  	[sflag:s29] =	ssyncset.done $0x0  }
0x116: {  	[sflag:s29] =	ssyncadd.s32 $0xFFFFF000  }
0x117: {  	_ =	swait.ge [sflag:s29], $0x1000  }
0x118: {  	[sflag:s29] =	ssyncset.done $0x0  }
0x119: {  	[sflag:s29] =	ssyncadd.s32 $0xFFFFF000  }
0x11a: {  	_ =	swait.ge [sflag:s29], $0x1000  }
0x11b: {  	[sflag:s29] =	ssyncset.done $0x0  }
0x11c: {  	[sflag:s29] =	ssyncadd.s32 $0xFFFFF000  }
0x11d: {  	_ =	swait.ge [sflag:s29], $0x1000  }
0x11e: {  	[sflag:s29] =	ssyncset.done $0x0  }
0x11f: {  	[sflag:s29] =	ssyncadd.s32 $0xFFFFF000  }
0x120: {  	_ =	swait.ge [sflag:s29], $0x1000  }
0x121: {  	[sflag:s29] =	ssyncset.done $0x0  }
0x122: {  	[sflag:s29] =	ssyncadd.s32 $0xFFFFF000  }
0x123: {  	_ =	swait.ge [sflag:s29], $0x1000  }
0x124: {  	[sflag:s29] =	ssyncset.done $0x0  }
0x125: {  	[sflag:s29] =	ssyncadd.s32 $0xFFFFF000  }
0x126: {  	_ =	swait.ge [sflag:s29], $0x1000  }
0x127: {  	[sflag:s29] =	ssyncset.done $0x0  }
0x128: {  	[sflag:s29] =	ssyncadd.s32 $0xFFFFF000  }
0x129: {  	_ =	swait.ge [sflag:s29], $0x1000  }
0x12a: {  	[sflag:s29] =	ssyncset.done $0x0  }
0x12b: {  	s4 =	sadd.s32 $0xFFFFFFFF, s4;
	[sflag:s29] =	ssyncadd.s32 $0xFFFFF000  }
0x12c: {  	p1 =	sne.s32 s4, $0x0;
	_ =	swait.ge [sflag:s29], $0x1000  }
.Ltmp0:
0x12d: {  	[sflag:s29] =	ssyncset.done $0x0;
	(pc) =	sbr.rel @p1 .LBB2_1-.Ltmp0, $4  }
0x12e: {  	[sflag:s29] =	ssyncadd.s32 $0xFFFFF000  }
0x12f: {  	_ =	swait.ge [sflag:s29], $0x1000  }
0x130: {  	[sflag:s29] =	ssyncset.done $0x0  }
0x131: {  	[sflag:s29] =	ssyncadd.s32 $0xFFFFF000  }
0x132: {  	_ =	sfence.sel $0x180000  }
0x133: {  	[bflag:$0x0] =	sbarrier.arrive $0xFFFF  }
0x134: {  	_ =	strace $0x90000047  }
0x135: {  	[bflag:$0x2] =	sbarrier.arrive $0xFFFF  }
0x136: {  	s0 =	rddreg [dreg:$0x5]  }
0x137: {  	s0 =	sadd.s32 @!p0 $0x100000, s0  }
0x138: {  	[sflag:s0] =	ssyncadd.tile.s32 @!p0 $0x1;
	_ =	shalt  }
.Lfunc_end2:
_tile_overlayer_lowered:
.L_overlay_start_2:
0x139: {  	(tag) =	ssettag $0x2  }
0x13a: {  	s0 =	rddreg [dreg:$0x0];
	s2 =	stileid.u32  }
0x13b: {  	s1 =	rddreg [dreg:$0x1];
	p0 =	sne.s32 s2, $0x0  }
0x13c: {  	s3 =	rddreg [dreg:$0x2];
	[bflag:$0x3] =	sbarrier.arrive $0xFFFF;
	s2 =	simm.s32 @!p0 $0x1C04  }
0x13d: {  	[timem:s3], [sflag:s2] =	dma.local @!p0 [hbm:s0], s1  }
0x13e: {  	s0 =	simm.s32 @!p0 $0x4  }
0x13f: {  	_ =	swait.ge @!p0 [sflag:s0], s1  }
0x140: {  	s1 =	ssub.s32 @!p0 $0x0, s1;
	[sflag:s0] =	ssyncset.done @!p0 $0x0  }
0x141: {  	[sflag:s0] =	ssyncadd.s32 @!p0 s1  }
0x142: {  	[bflag:$0x3] =	sbarrier.arrive $0xFFFF  }
0x143: {  	_ =	shalt  }

</sc_bundles>
